<compile_context>
chip_gen: v7x
topology: tpu7x:2x2x1
jax: 0.10.2.dev20260603
libtpu: 0.0.44.dev20260713+nightly
codegen_flags: <defaults>
</compile_context>

<pallas_src>
import functools

import jax
import jax.numpy as jnp
from jax import lax
from jax.experimental import pallas as pl
from jax.experimental.pallas import tpu as pltpu
from jax.experimental.pallas import tpu_sc as plsc

NC = 2
NS = 16
NW = NC * NS
L = 16

B_PAD = 80
DUMMY = 64
CHUNK = 32


def _sc_encoder(x, src, dst, index, *, n, e, d, b):
    epw = e // NW
    assert e % NW == 0
    U = 4
    nch = (epw + L * U - 1) // (L * U)
    epw_pad = nch * L * U
    n2s_sz = ((n + L) + L - 1) // L * L
    cap = epw + 2 * CHUNK

    mesh = plsc.VectorSubcoreMesh(core_axis_name="c", subcore_axis_name="s")

    @functools.partial(
        pl.kernel,
        out_type=(
            jax.ShapeDtypeStruct((NW * B_PAD * d,), jnp.float32),
            jax.ShapeDtypeStruct((NW * B_PAD * L,), jnp.float32),
            jax.ShapeDtypeStruct((b * B_PAD,), jnp.float32),
            jax.ShapeDtypeStruct((b, d), jnp.float32),
        ),
        mesh=mesh,
        compiler_params=pltpu.CompilerParams(needs_layout_passes=False),
        scratch_types=dict(
            n2s_v=pltpu.VMEM((n2s_sz,), jnp.int32),
            dst_v=pltpu.VMEM((epw_pad,), jnp.int32),
            src_v=pltpu.VMEM((epw_pad,), jnp.int32),
            slot_buf=pltpu.VMEM((cap,), jnp.int32),
            srcq_buf=pltpu.VMEM((cap,), jnp.int32),
            src_chunk=pltpu.VMEM((CHUNK,), jnp.int32),
            rows_v=pltpu.VMEM((CHUNK, d), jnp.float32),
            idx_v=pltpu.VMEM((b,), jnp.int32),
            agg_l=pltpu.VMEM((B_PAD * d,), jnp.float32),
            deg_l=pltpu.VMEM((B_PAD * L,), jnp.float32),
            o_v=pltpu.VMEM((b * B_PAD,), jnp.float32),
            sem=pltpu.SemaphoreType.DMA,
            sem2=pltpu.SemaphoreType.DMA,
            sem3=pltpu.SemaphoreType.DMA,
            sem4=pltpu.SemaphoreType.DMA,
            sem5=pltpu.SemaphoreType.DMA,
        ),
    )
    def sc_kernel(x_hbm, src_hbm, dst_hbm, idx_hbm, neg1_hbm, zeros_hbm,
                  agg_out, deg_out, o_out, xs_out,
                  n2s_v, dst_v, src_v, slot_buf, srcq_buf,
                  src_chunk, rows_v, idx_v,
                  agg_l, deg_l, o_v,
                  sem, sem2, sem3, sem4, sem5):
        cid = lax.axis_index("c")
        sid = lax.axis_index("s")
        wid = cid * NS + sid
        iota = lax.iota(jnp.int32, L)

        cp1 = pltpu.async_copy(dst_hbm.at[pl.ds(wid * epw, epw)],
                               dst_v.at[pl.ds(0, epw)], sem)
        cp2 = pltpu.async_copy(src_hbm.at[pl.ds(wid * epw, epw)],
                               src_v.at[pl.ds(0, epw)], sem2)
        cp3 = pltpu.async_copy(neg1_hbm, n2s_v, sem3)
        cp4 = pltpu.async_copy(zeros_hbm, agg_l, sem4)
        cp5 = pltpu.async_copy(zeros_hbm.at[pl.ds(0, B_PAD * L)], deg_l, sem5)
        pltpu.sync_copy(idx_hbm, idx_v)
        cp3.wait()
        for g in range(b // L):
            idxs = idx_v[pl.ds(g * L, L)]
            vals = iota + g * L
            for lane in range(L):
                plsc.store_scatter(n2s_v, [idxs], vals, mask=iota == lane)
        cp1.wait()
        cp2.wait()
        cp4.wait()
        cp5.wait()
        if epw_pad != epw:
            for t in range(epw // L * L, epw_pad, L):
                tv = dst_v[pl.ds(t, L)]
                dst_v[pl.ds(t, L)] = jnp.where(iota < epw - t, tv, n)

        @pl.when(jnp.logical_and(cid == 0, sid == 3))
        def _gather_xsel():
            for h in range(b // CHUNK):
                pltpu.async_copy(
                    x_hbm.at[idx_v.at[pl.ds(h * CHUNK, CHUNK)]],
                    rows_v, sem).wait()
                pltpu.sync_copy(rows_v, xs_out.at[pl.ds(h * CHUNK, CHUNK)])

        def scan_body(i, cnt):
            base = i * (L * U)
            slots_u = []
            masks_u = []
            for u in range(U):
                dsts = dst_v[pl.ds(base + u * L, L)]
                s_u = plsc.load_gather(n2s_v, [dsts])
                slots_u.append(s_u)
                masks_u.append(s_u >= 0)
            m_any = masks_u[0]
            for u in range(1, U):
                m_any = jnp.logical_or(m_any, masks_u[u])

            def do_compact(cnt):
                for u in range(U):
                    m = masks_u[u]
                    srcs = src_v[pl.ds(base + u * L, L)]
                    mi = jnp.where(m, 1, 0).astype(jnp.int32)
                    cs = plsc.cumsum(mi)
                    dest = cnt + cs - 1
                    dest = jnp.where(m, dest, cap - L + iota)
                    plsc.store_scatter(slot_buf, [dest], slots_u[u], mask=m)
                    plsc.store_scatter(srcq_buf, [dest], srcs, mask=m)
                    cnt = cnt + cs[L - 1]
                return cnt

            return lax.cond(jnp.any(m_any), do_compact, lambda c: c, cnt)
        cnt = lax.fori_loop(0, nch, scan_body, jnp.int32(0))

        for k in range(CHUNK // L):
            dest = cnt + k * L + iota
            plsc.store_scatter(slot_buf, [dest],
                               jnp.full((L,), DUMMY, jnp.int32))
            plsc.store_scatter(srcq_buf, [dest], jnp.zeros((L,), jnp.int32))

        nchunks = (cnt + CHUNK - 1) // CHUNK

        def acc_body(ci, _):
            cb = ci * CHUNK
            for k in range(CHUNK // L):
                src_chunk[pl.ds(k * L, L)] = srcq_buf[pl.ds(cb + k * L, L)]
            pltpu.async_copy(x_hbm.at[src_chunk], rows_v, sem).wait()
            for kk in range(CHUNK // L):
                s_v = slot_buf[pl.ds(cb + kk * L, L)]
                rr = iota + kk * L
                flat_base = s_v * d
                def col_body(c, _):
                    cc = jnp.broadcast_to(c, (L,))
                    vals = plsc.load_gather(rows_v, [rr, cc])
                    plsc.addupdate_scatter(agg_l, [flat_base + c], vals)
                    return 0
                lax.fori_loop(0, d, col_body, 0)
                plsc.addupdate_scatter(deg_l, [s_v * L],
                                       jnp.full((L,), 1.0, jnp.float32))
            return 0
        lax.fori_loop(0, nchunks, acc_body, 0)

        pltpu.sync_copy(agg_l, agg_out.at[pl.ds(wid * (B_PAD * d), B_PAD * d)])
        pltpu.sync_copy(deg_l, deg_out.at[pl.ds(wid * (B_PAD * L), B_PAD * L)])

        @pl.when(jnp.logical_and(cid == 0, sid == 2))
        def _build_o():
            pltpu.sync_copy(zeros_hbm.at[pl.ds(0, b * B_PAD)], o_v)
            for g in range(b // L):
                idxs = idx_v[pl.ds(g * L, L)]
                gv = plsc.load_gather(n2s_v, [idxs])
                flat = (iota + g * L) * B_PAD + gv
                plsc.store_scatter(o_v, [flat],
                                   jnp.full((L,), 1.0, jnp.float32))
            pltpu.sync_copy(o_v, o_out)

    neg1 = jnp.full((n2s_sz,), -1, jnp.int32)
    zeros = jnp.zeros((B_PAD * d,), jnp.float32)
    return sc_kernel(x, src, dst, index, neg1, zeros)


def _tc_tail(agg2, deg2, o, xs, w_l, w_r, bias, pw):
    def body(agg_ref, deg_ref, o_ref, xs_ref, wl_ref, wr_ref, b_ref, pw_ref,
             z_ref):
        agg = jnp.sum(agg_ref[...], axis=0)
        deg = jnp.sum(deg_ref[...], axis=0)
        sel = o_ref[...]
        a_sel = jnp.dot(sel, agg, preferred_element_type=jnp.float32)
        d_sel = jnp.dot(sel, deg, preferred_element_type=jnp.float32)
        mean = a_sel / jnp.maximum(d_sel[:, 0:1], 1.0)
        h = (jnp.dot(mean, wl_ref[...], preferred_element_type=jnp.float32)
             + jnp.dot(xs_ref[...], wr_ref[...],
                       preferred_element_type=jnp.float32)
             + b_ref[...])
        w = pw_ref[0, 0]
        z_ref[...] = jnp.where(h > 0, h, w * h)

    return pl.pallas_call(
        body,
        out_shape=jax.ShapeDtypeStruct((xs.shape[0], w_r.shape[1]),
                                       jnp.float32),
    )(agg2, deg2, o, xs, w_l, w_r, bias, pw)


def kernel(x, edge_index, batch, index, W_l, W_r, b, prelu_w):
    n, d = x.shape
    e = edge_index.shape[1]
    bsz = index.shape[0]
    src = edge_index[0]
    dst = edge_index[1]
    agg2, deg2, o, xs = _sc_encoder(x, src, dst, index, n=n, e=e, d=d, b=bsz)
    return _tc_tail(agg2.reshape(NW, B_PAD, d), deg2.reshape(NW, B_PAD, L),
                    o.reshape(bsz, B_PAD), xs, W_l, W_r,
                    b.reshape(1, -1), prelu_w.reshape(1, 1))

# --- scband reference (transcript-rebuilt; emitter-appended) ---
"""Pipeline reference for scband-gear-19928648253632 (READ-ONLY COPY).

The authoritative reference and input builder live on the scoring server;
editing this copy changes nothing except your own understanding.
"""

import jax, jax.numpy as jnp
import numpy as np

N = 10000   # n_nodes
E = 160000  # n_edges
D = 256     # in feature dim (nfeat)
H = 256     # hidden dim (num_hidden)
B = 64      # number of subgraph center nodes per batch


def setup_inputs(seed: int = 0) -> dict:
    key = jax.random.key(seed)
    ks = jax.random.split(key, 8)
    x = jax.random.normal(ks[0], (N, D), dtype=jnp.float32)
    edge_index = jax.random.randint(ks[1], (2, E), 0, N, dtype=jnp.int32)
    batch = jnp.sort(jax.random.randint(ks[2], (N,), 0, B, dtype=jnp.int32))
    index = jax.random.randint(ks[3], (B,), 0, N, dtype=jnp.int32)
    # SAGE conv params: out = mean_agg(x) @ W_l + x @ W_r + b, followed by PReLU
    W_l = jax.random.normal(ks[4], (D, H), dtype=jnp.float32) * (1.0 / np.sqrt(D))
    W_r = jax.random.normal(ks[5], (D, H), dtype=jnp.float32) * (1.0 / np.sqrt(D))
    b = jnp.zeros((H,), dtype=jnp.float32)
    prelu_w = jnp.full((1,), 0.25, dtype=jnp.float32)
    return {"x": x, "edge_index": edge_index, "batch": batch, "index": index,
            "W_l": W_l, "W_r": W_r, "b": b, "prelu_w": prelu_w}


def reference(x, edge_index, batch, index, W_l, W_r, b, prelu_w):
    # GEAR encoder forward on a sampled-subgraph batch:
    # SAGEConv (mean aggregation) -> PReLU -> select center-node embeddings via index.
    src = edge_index[0]
    dst = edge_index[1]
    msgs = x[src]                                           # gather  [E, D]
    agg = jax.ops.segment_sum(msgs, dst, num_segments=N)    # scatter-add [N, D]
    deg = jax.ops.segment_sum(jnp.ones((E,), dtype=x.dtype), dst, num_segments=N)
    mean_agg = agg / jnp.clip(deg, 1.0)[:, None]            # mean aggregation
    h = mean_agg @ W_l + x @ W_r + b                        # SAGE linear transforms
    h = jnp.where(h > 0, h, prelu_w * h)                    # PReLU
    z = h[index]                                            # center-node embeddings [B, H]
    return z

if __name__ == "__main__":
    import jax
    _d = setup_inputs()
    print(jax.jit(kernel)(*tuple(_d.values())))

</pallas_src>

<mosaic_0001>
#map = affine_map<(d0, d1) -> (0, 0)>
#map1 = affine_map<(d0, d1) -> (0)>
module attributes {stable_mosaic.version = 14 : i64} {
  func.func @sc_kernel(%arg0: i32, %arg1: i32, %arg2: memref<10000x256xf32, #tpu.memory_space<hbm>>, %arg3: memref<160000xi32, #tpu.memory_space<hbm>>, %arg4: memref<160000xi32, #tpu.memory_space<hbm>>, %arg5: memref<64xi32, #tpu.memory_space<hbm>>, %arg6: memref<10016xi32, #tpu.memory_space<hbm>>, %arg7: memref<20480xf32, #tpu.memory_space<hbm>>, %arg8: memref<655360xf32, #tpu.memory_space<hbm>>, %arg9: memref<40960xf32, #tpu.memory_space<hbm>>, %arg10: memref<5120xf32, #tpu.memory_space<hbm>>, %arg11: memref<64x256xf32, #tpu.memory_space<hbm>>, %arg12: memref<20480xf32, #tpu.memory_space<vmem>>, %arg13: memref<1280xf32, #tpu.memory_space<vmem>>, %arg14: memref<5056xi32, #tpu.memory_space<vmem>>, %arg15: memref<64xi32, #tpu.memory_space<vmem>>, %arg16: memref<10016xi32, #tpu.memory_space<vmem>>, %arg17: memref<5120xf32, #tpu.memory_space<vmem>>, %arg18: memref<32x256xf32, #tpu.memory_space<vmem>>, %arg19: memref<!tpu.dma_semaphore, #tpu.memory_space<semaphore_mem>>, %arg20: memref<!tpu.dma_semaphore, #tpu.memory_space<semaphore_mem>>, %arg21: memref<!tpu.dma_semaphore, #tpu.memory_space<semaphore_mem>>, %arg22: memref<!tpu.dma_semaphore, #tpu.memory_space<semaphore_mem>>, %arg23: memref<!tpu.dma_semaphore, #tpu.memory_space<semaphore_mem>>, %arg24: memref<5064xi32, #tpu.memory_space<vmem>>, %arg25: memref<32xi32, #tpu.memory_space<vmem>>, %arg26: memref<5056xi32, #tpu.memory_space<vmem>>, %arg27: memref<5064xi32, #tpu.memory_space<vmem>>) attributes {dimension_semantics = [#tpu.dimension_semantics<core_parallel>, #tpu.dimension_semantics<subcore_parallel>], iteration_bounds = array<i64: 2, 16>, scalar_prefetch = 0 : i64, scratch_operands = 16 : i64, tpu.core_type = #tpu.core_type<sc_vector_subcore>, window_params = [{transform_indices = #map}, {transform_indices = #map1}, {transform_indices = #map1}, {transform_indices = #map1}, {transform_indices = #map1}, {transform_indices = #map1}, {transform_indices = #map1}, {transform_indices = #map1}, {transform_indices = #map1}, {transform_indices = #map}]} {
    %mul3A = arith.constant 16 : i32
    %mul3A_0 = arith.muli %arg0, %mul3A : i32
    %add3A = arith.addi %mul3A_0, %arg1 : i32
    %iota3A = tpu.iota {dimensions = array<i32: 0>} : vector<16xi32>
    %mul3A_1 = arith.constant 5000 : i32
    %mul3A_2 = arith.muli %add3A, %mul3A_1 : i32
    %dma_start3A = arith.constant 0 : i32
    %dma_start3A_3 = tpu.memref_slice %arg14[%dma_start3A] : memref<5056xi32, #tpu.memory_space<vmem>> -> memref<5000xi32, #tpu.memory_space<vmem>>
    %dma_start3A_4 = tpu.memref_slice %arg4[%mul3A_2] : memref<160000xi32, #tpu.memory_space<hbm>> -> memref<5000xi32, #tpu.memory_space<hbm>>
    %dma_start3A_5 = arith.constant 0 : i32
    %dma_start3A_6 = tpu.memref_slice %arg14[%dma_start3A_5] : memref<5056xi32, #tpu.memory_space<vmem>> -> memref<5000xi32, #tpu.memory_space<vmem>>
    %dma_start3A_7 = tpu.memref_slice %arg4[%mul3A_2] : memref<160000xi32, #tpu.memory_space<hbm>> -> memref<5000xi32, #tpu.memory_space<hbm>>
    tpu.enqueue_dma source(%dma_start3A_7 : memref<5000xi32, #tpu.memory_space<hbm>>) target(%dma_start3A_6 : memref<5000xi32, #tpu.memory_space<vmem>>) target_semaphore(%arg19 : memref<!tpu.dma_semaphore, #tpu.memory_space<semaphore_mem>>)
    %mul3A_8 = arith.constant 5000 : i32
    %mul3A_9 = arith.muli %add3A, %mul3A_8 : i32
    %dma_start3A_10 = arith.constant 0 : i32
    %dma_start3A_11 = tpu.memref_slice %arg26[%dma_start3A_10] : memref<5056xi32, #tpu.memory_space<vmem>> -> memref<5000xi32, #tpu.memory_space<vmem>>
    %dma_start3A_12 = tpu.memref_slice %arg3[%mul3A_9] : memref<160000xi32, #tpu.memory_space<hbm>> -> memref<5000xi32, #tpu.memory_space<hbm>>
    %dma_start3A_13 = arith.constant 0 : i32
    %dma_start3A_14 = tpu.memref_slice %arg26[%dma_start3A_13] : memref<5056xi32, #tpu.memory_space<vmem>> -> memref<5000xi32, #tpu.memory_space<vmem>>
    %dma_start3A_15 = tpu.memref_slice %arg3[%mul3A_9] : memref<160000xi32, #tpu.memory_space<hbm>> -> memref<5000xi32, #tpu.memory_space<hbm>>
    tpu.enqueue_dma source(%dma_start3A_15 : memref<5000xi32, #tpu.memory_space<hbm>>) target(%dma_start3A_14 : memref<5000xi32, #tpu.memory_space<vmem>>) target_semaphore(%arg20 : memref<!tpu.dma_semaphore, #tpu.memory_space<semaphore_mem>>)
    tpu.enqueue_dma source(%arg6 : memref<10016xi32, #tpu.memory_space<hbm>>) target(%arg16 : memref<10016xi32, #tpu.memory_space<vmem>>) target_semaphore(%arg21 : memref<!tpu.dma_semaphore, #tpu.memory_space<semaphore_mem>>)
    tpu.enqueue_dma source(%arg7 : memref<20480xf32, #tpu.memory_space<hbm>>) target(%arg12 : memref<20480xf32, #tpu.memory_space<vmem>>) target_semaphore(%arg22 : memref<!tpu.dma_semaphore, #tpu.memory_space<semaphore_mem>>)
    %dma_start3A_16 = arith.constant 0 : i32
    %dma_start3A_17 = tpu.memref_slice %arg7[%dma_start3A_16] : memref<20480xf32, #tpu.memory_space<hbm>> -> memref<1280xf32, #tpu.memory_space<hbm>>
    %dma_start3A_18 = arith.constant 0 : i32
    %dma_start3A_19 = tpu.memref_slice %arg7[%dma_start3A_18] : memref<20480xf32, #tpu.memory_space<hbm>> -> memref<1280xf32, #tpu.memory_space<hbm>>
    tpu.enqueue_dma source(%dma_start3A_19 : memref<1280xf32, #tpu.memory_space<hbm>>) target(%arg13 : memref<1280xf32, #tpu.memory_space<vmem>>) target_semaphore(%arg23 : memref<!tpu.dma_semaphore, #tpu.memory_space<semaphore_mem>>)
    "tpu.region"() ({
      %run_scoped3A = tpu.sem_alloc : memref<!tpu.dma_semaphore, #tpu.memory_space<semaphore_mem>>
      tpu.enqueue_dma source(%arg5 : memref<64xi32, #tpu.memory_space<hbm>>) target(%arg15 : memref<64xi32, #tpu.memory_space<vmem>>) target_semaphore(%run_scoped3A : memref<!tpu.dma_semaphore, #tpu.memory_space<semaphore_mem>>)
      tpu.wait_dma2 semaphore(%run_scoped3A : memref<!tpu.dma_semaphore, #tpu.memory_space<semaphore_mem>>) src(%arg5 : memref<64xi32, #tpu.memory_space<hbm>>) dst(%arg15 : memref<64xi32, #tpu.memory_space<vmem>>)
      tpu.yield
    }) : () -> ()
    tpu.wait_dma2 semaphore(%arg21 : memref<!tpu.dma_semaphore, #tpu.memory_space<semaphore_mem>>) src(%arg6 : memref<10016xi32, #tpu.memory_space<hbm>>) dst(%arg16 : memref<10016xi32, #tpu.memory_space<vmem>>)
    %get3A = arith.constant 0 : index
    %get3A_20 = tpu.vector_load %arg15[%get3A] {strides = array<i32>} : memref<64xi32, #tpu.memory_space<vmem>>, vector<16xi32>,
    %add3A_21 = arith.constant 0 : i32
    %add3A_22 = vector.broadcast %add3A_21 : i32 to vector<16xi32>
    %add3A_23 = arith.addi %iota3A, %add3A_22 : vector<16xi32>
    %eq3A = arith.constant 0 : i32
    %eq3A_24 = vector.broadcast %eq3A : i32 to vector<16xi32>
    %eq3A_25 = arith.cmpi eq, %iota3A, %eq3A_24 : vector<16xi32>
    tpu.vector_store_idx %arg16[%get3A_20], %add3A_23 masked %eq3A_25 : memref<10016xi32, #tpu.memory_space<vmem>>[vector<16xi32>], vector<16xi32>, vector<16xi1>
    %eq3A_26 = arith.constant 1 : i32
    %eq3A_27 = vector.broadcast %eq3A_26 : i32 to vector<16xi32>
    %eq3A_28 = arith.cmpi eq, %iota3A, %eq3A_27 : vector<16xi32>
    tpu.vector_store_idx %arg16[%get3A_20], %add3A_23 masked %eq3A_28 : memref<10016xi32, #tpu.memory_space<vmem>>[vector<16xi32>], vector<16xi32>, vector<16xi1>
    %eq3A_29 = arith.constant 2 : i32
    %eq3A_30 = vector.broadcast %eq3A_29 : i32 to vector<16xi32>
    %eq3A_31 = arith.cmpi eq, %iota3A, %eq3A_30 : vector<16xi32>
    tpu.vector_store_idx %arg16[%get3A_20], %add3A_23 masked %eq3A_31 : memref<10016xi32, #tpu.memory_space<vmem>>[vector<16xi32>], vector<16xi32>, vector<16xi1>
    %eq3A_32 = arith.constant 3 : i32
    %eq3A_33 = vector.broadcast %eq3A_32 : i32 to vector<16xi32>
    %eq3A_34 = arith.cmpi eq, %iota3A, %eq3A_33 : vector<16xi32>
    tpu.vector_store_idx %arg16[%get3A_20], %add3A_23 masked %eq3A_34 : memref<10016xi32, #tpu.memory_space<vmem>>[vector<16xi32>], vector<16xi32>, vector<16xi1>
    %eq3A_35 = arith.constant 4 : i32
    %eq3A_36 = vector.broadcast %eq3A_35 : i32 to vector<16xi32>
    %eq3A_37 = arith.cmpi eq, %iota3A, %eq3A_36 : vector<16xi32>
    tpu.vector_store_idx %arg16[%get3A_20], %add3A_23 masked %eq3A_37 : memref<10016xi32, #tpu.memory_space<vmem>>[vector<16xi32>], vector<16xi32>, vector<16xi1>
    %eq3A_38 = arith.constant 5 : i32
    %eq3A_39 = vector.broadcast %eq3A_38 : i32 to vector<16xi32>
    %eq3A_40 = arith.cmpi eq, %iota3A, %eq3A_39 : vector<16xi32>
    tpu.vector_store_idx %arg16[%get3A_20], %add3A_23 masked %eq3A_40 : memref<10016xi32, #tpu.memory_space<vmem>>[vector<16xi32>], vector<16xi32>, vector<16xi1>
    %eq3A_41 = arith.constant 6 : i32
    %eq3A_42 = vector.broadcast %eq3A_41 : i32 to vector<16xi32>
    %eq3A_43 = arith.cmpi eq, %iota3A, %eq3A_42 : vector<16xi32>
    tpu.vector_store_idx %arg16[%get3A_20], %add3A_23 masked %eq3A_43 : memref<10016xi32, #tpu.memory_space<vmem>>[vector<16xi32>], vector<16xi32>, vector<16xi1>
    %eq3A_44 = arith.constant 7 : i32
    %eq3A_45 = vector.broadcast %eq3A_44 : i32 to vector<16xi32>
    %eq3A_46 = arith.cmpi eq, %iota3A, %eq3A_45 : vector<16xi32>
    tpu.vector_store_idx %arg16[%get3A_20], %add3A_23 masked %eq3A_46 : memref<10016xi32, #tpu.memory_space<vmem>>[vector<16xi32>], vector<16xi32>, vector<16xi1>
    %eq3A_47 = arith.constant 8 : i32
    %eq3A_48 = vector.broadcast %eq3A_47 : i32 to vector<16xi32>
    %eq3A_49 = arith.cmpi eq, %iota3A, %eq3A_48 : vector<16xi32>
    tpu.vector_store_idx %arg16[%get3A_20], %add3A_23 masked %eq3A_49 : memref<10016xi32, #tpu.memory_space<vmem>>[vector<16xi32>], vector<16xi32>, vector<16xi1>
    %eq3A_50 = arith.constant 9 : i32
    %eq3A_51 = vector.broadcast %eq3A_50 : i32 to vector<16xi32>
    %eq3A_52 = arith.cmpi eq, %iota3A, %eq3A_51 : vector<16xi32>
    tpu.vector_store_idx %arg16[%get3A_20], %add3A_23 masked %eq3A_52 : memref<10016xi32, #tpu.memory_space<vmem>>[vector<16xi32>], vector<16xi32>, vector<16xi1>
    %eq3A_53 = arith.constant 10 : i32
    %eq3A_54 = vector.broadcast %eq3A_53 : i32 to vector<16xi32>
    %eq3A_55 = arith.cmpi eq, %iota3A, %eq3A_54 : vector<16xi32>
    tpu.vector_store_idx %arg16[%get3A_20], %add3A_23 masked %eq3A_55 : memref<10016xi32, #tpu.memory_space<vmem>>[vector<16xi32>], vector<16xi32>, vector<16xi1>
    %eq3A_56 = arith.constant 11 : i32
    %eq3A_57 = vector.broadcast %eq3A_56 : i32 to vector<16xi32>
    %eq3A_58 = arith.cmpi eq, %iota3A, %eq3A_57 : vector<16xi32>
    tpu.vector_store_idx %arg16[%get3A_20], %add3A_23 masked %eq3A_58 : memref<10016xi32, #tpu.memory_space<vmem>>[vector<16xi32>], vector<16xi32>, vector<16xi1>
    %eq3A_59 = arith.constant 12 : i32
    %eq3A_60 = vector.broadcast %eq3A_59 : i32 to vector<16xi32>
    %eq3A_61 = arith.cmpi eq, %iota3A, %eq3A_60 : vector<16xi32>
    tpu.vector_store_idx %arg16[%get3A_20], %add3A_23 masked %eq3A_61 : memref<10016xi32, #tpu.memory_space<vmem>>[vector<16xi32>], vector<16xi32>, vector<16xi1>
    %eq3A_62 = arith.constant 13 : i32
    %eq3A_63 = vector.broadcast %eq3A_62 : i32 to vector<16xi32>
    %eq3A_64 = arith.cmpi eq, %iota3A, %eq3A_63 : vector<16xi32>
    tpu.vector_store_idx %arg16[%get3A_20], %add3A_23 masked %eq3A_64 : memref<10016xi32, #tpu.memory_space<vmem>>[vector<16xi32>], vector<16xi32>, vector<16xi1>
    %eq3A_65 = arith.constant 14 : i32
    %eq3A_66 = vector.broadcast %eq3A_65 : i32 to vector<16xi32>
    %eq3A_67 = arith.cmpi eq, %iota3A, %eq3A_66 : vector<16xi32>
    tpu.vector_store_idx %arg16[%get3A_20], %add3A_23 masked %eq3A_67 : memref<10016xi32, #tpu.memory_space<vmem>>[vector<16xi32>], vector<16xi32>, vector<16xi1>
    %eq3A_68 = arith.constant 15 : i32
    %eq3A_69 = vector.broadcast %eq3A_68 : i32 to vector<16xi32>
    %eq3A_70 = arith.cmpi eq, %iota3A, %eq3A_69 : vector<16xi32>
    tpu.vector_store_idx %arg16[%get3A_20], %add3A_23 masked %eq3A_70 : memref<10016xi32, #tpu.memory_space<vmem>>[vector<16xi32>], vector<16xi32>, vector<16xi1>
    %get3A_71 = arith.constant 16 : index
    %get3A_72 = tpu.vector_load %arg15[%get3A_71] {strides = array<i32>} : memref<64xi32, #tpu.memory_space<vmem>>, vector<16xi32>,
    %add3A_73 = arith.constant 16 : i32
    %add3A_74 = vector.broadcast %add3A_73 : i32 to vector<16xi32>
    %add3A_75 = arith.addi %iota3A, %add3A_74 : vector<16xi32>
    %eq3A_76 = arith.constant 0 : i32
    %eq3A_77 = vector.broadcast %eq3A_76 : i32 to vector<16xi32>
    %eq3A_78 = arith.cmpi eq, %iota3A, %eq3A_77 : vector<16xi32>
    tpu.vector_store_idx %arg16[%get3A_72], %add3A_75 masked %eq3A_78 : memref<10016xi32, #tpu.memory_space<vmem>>[vector<16xi32>], vector<16xi32>, vector<16xi1>
    %eq3A_79 = arith.constant 1 : i32
    %eq3A_80 = vector.broadcast %eq3A_79 : i32 to vector<16xi32>
    %eq3A_81 = arith.cmpi eq, %iota3A, %eq3A_80 : vector<16xi32>
    tpu.vector_store_idx %arg16[%get3A_72], %add3A_75 masked %eq3A_81 : memref<10016xi32, #tpu.memory_space<vmem>>[vector<16xi32>], vector<16xi32>, vector<16xi1>
    %eq3A_82 = arith.constant 2 : i32
    %eq3A_83 = vector.broadcast %eq3A_82 : i32 to vector<16xi32>
    %eq3A_84 = arith.cmpi eq, %iota3A, %eq3A_83 : vector<16xi32>
    tpu.vector_store_idx %arg16[%get3A_72], %add3A_75 masked %eq3A_84 : memref<10016xi32, #tpu.memory_space<vmem>>[vector<16xi32>], vector<16xi32>, vector<16xi1>
    %eq3A_85 = arith.constant 3 : i32
    %eq3A_86 = vector.broadcast %eq3A_85 : i32 to vector<16xi32>
    %eq3A_87 = arith.cmpi eq, %iota3A, %eq3A_86 : vector<16xi32>
    tpu.vector_store_idx %arg16[%get3A_72], %add3A_75 masked %eq3A_87 : memref<10016xi32, #tpu.memory_space<vmem>>[vector<16xi32>], vector<16xi32>, vector<16xi1>
    %eq3A_88 = arith.constant 4 : i32
    %eq3A_89 = vector.broadcast %eq3A_88 : i32 to vector<16xi32>
    %eq3A_90 = arith.cmpi eq, %iota3A, %eq3A_89 : vector<16xi32>
    tpu.vector_store_idx %arg16[%get3A_72], %add3A_75 masked %eq3A_90 : memref<10016xi32, #tpu.memory_space<vmem>>[vector<16xi32>], vector<16xi32>, vector<16xi1>
    %eq3A_91 = arith.constant 5 : i32
    %eq3A_92 = vector.broadcast %eq3A_91 : i32 to vector<16xi32>
    %eq3A_93 = arith.cmpi eq, %iota3A, %eq3A_92 : vector<16xi32>
    tpu.vector_store_idx %arg16[%get3A_72], %add3A_75 masked %eq3A_93 : memref<10016xi32, #tpu.memory_space<vmem>>[vector<16xi32>], vector<16xi32>, vector<16xi1>
    %eq3A_94 = arith.constant 6 : i32
    %eq3A_95 = vector.broadcast %eq3A_94 : i32 to vector<16xi32>
    %eq3A_96 = arith.cmpi eq, %iota3A, %eq3A_95 : vector<16xi32>
    tpu.vector_store_idx %arg16[%get3A_72], %add3A_75 masked %eq3A_96 : memref<10016xi32, #tpu.memory_space<vmem>>[vector<16xi32>], vector<16xi32>, vector<16xi1>
    %eq3A_97 = arith.constant 7 : i32
    %eq3A_98 = vector.broadcast %eq3A_97 : i32 to vector<16xi32>
    %eq3A_99 = arith.cmpi eq, %iota3A, %eq3A_98 : vector<16xi32>
    tpu.vector_store_idx %arg16[%get3A_72], %add3A_75 masked %eq3A_99 : memref<10016xi32, #tpu.memory_space<vmem>>[vector<16xi32>], vector<16xi32>, vector<16xi1>
    %eq3A_100 = arith.constant 8 : i32
    %eq3A_101 = vector.broadcast %eq3A_100 : i32 to vector<16xi32>
    %eq3A_102 = arith.cmpi eq, %iota3A, %eq3A_101 : vector<16xi32>
    tpu.vector_store_idx %arg16[%get3A_72], %add3A_75 masked %eq3A_102 : memref<10016xi32, #tpu.memory_space<vmem>>[vector<16xi32>], vector<16xi32>, vector<16xi1>
    %eq3A_103 = arith.constant 9 : i32
    %eq3A_104 = vector.broadcast %eq3A_103 : i32 to vector<16xi32>
    %eq3A_105 = arith.cmpi eq, %iota3A, %eq3A_104 : vector<16xi32>
    tpu.vector_store_idx %arg16[%get3A_72], %add3A_75 masked %eq3A_105 : memref<10016xi32, #tpu.memory_space<vmem>>[vector<16xi32>], vector<16xi32>, vector<16xi1>
    %eq3A_106 = arith.constant 10 : i32
    %eq3A_107 = vector.broadcast %eq3A_106 : i32 to vector<16xi32>
    %eq3A_108 = arith.cmpi eq, %iota3A, %eq3A_107 : vector<16xi32>
    tpu.vector_store_idx %arg16[%get3A_72], %add3A_75 masked %eq3A_108 : memref<10016xi32, #tpu.memory_space<vmem>>[vector<16xi32>], vector<16xi32>, vector<16xi1>
    %eq3A_109 = arith.constant 11 : i32
    %eq3A_110 = vector.broadcast %eq3A_109 : i32 to vector<16xi32>
    %eq3A_111 = arith.cmpi eq, %iota3A, %eq3A_110 : vector<16xi32>
    tpu.vector_store_idx %arg16[%get3A_72], %add3A_75 masked %eq3A_111 : memref<10016xi32, #tpu.memory_space<vmem>>[vector<16xi32>], vector<16xi32>, vector<16xi1>
    %eq3A_112 = arith.constant 12 : i32
    %eq3A_113 = vector.broadcast %eq3A_112 : i32 to vector<16xi32>
    %eq3A_114 = arith.cmpi eq, %iota3A, %eq3A_113 : vector<16xi32>
    tpu.vector_store_idx %arg16[%get3A_72], %add3A_75 masked %eq3A_114 : memref<10016xi32, #tpu.memory_space<vmem>>[vector<16xi32>], vector<16xi32>, vector<16xi1>
    %eq3A_115 = arith.constant 13 : i32
    %eq3A_116 = vector.broadcast %eq3A_115 : i32 to vector<16xi32>
    %eq3A_117 = arith.cmpi eq, %iota3A, %eq3A_116 : vector<16xi32>
    tpu.vector_store_idx %arg16[%get3A_72], %add3A_75 masked %eq3A_117 : memref<10016xi32, #tpu.memory_space<vmem>>[vector<16xi32>], vector<16xi32>, vector<16xi1>
    %eq3A_118 = arith.constant 14 : i32
    %eq3A_119 = vector.broadcast %eq3A_118 : i32 to vector<16xi32>
    %eq3A_120 = arith.cmpi eq, %iota3A, %eq3A_119 : vector<16xi32>
    tpu.vector_store_idx %arg16[%get3A_72], %add3A_75 masked %eq3A_120 : memref<10016xi32, #tpu.memory_space<vmem>>[vector<16xi32>], vector<16xi32>, vector<16xi1>
    %eq3A_121 = arith.constant 15 : i32
    %eq3A_122 = vector.broadcast %eq3A_121 : i32 to vector<16xi32>
    %eq3A_123 = arith.cmpi eq, %iota3A, %eq3A_122 : vector<16xi32>
    tpu.vector_store_idx %arg16[%get3A_72], %add3A_75 masked %eq3A_123 : memref<10016xi32, #tpu.memory_space<vmem>>[vector<16xi32>], vector<16xi32>, vector<16xi1>
    %get3A_124 = arith.constant 32 : index
    %get3A_125 = tpu.vector_load %arg15[%get3A_124] {strides = array<i32>} : memref<64xi32, #tpu.memory_space<vmem>>, vector<16xi32>,
    %add3A_126 = arith.constant 32 : i32
    %add3A_127 = vector.broadcast %add3A_126 : i32 to vector<16xi32>
    %add3A_128 = arith.addi %iota3A, %add3A_127 : vector<16xi32>
    %eq3A_129 = arith.constant 0 : i32
    %eq3A_130 = vector.broadcast %eq3A_129 : i32 to vector<16xi32>
    %eq3A_131 = arith.cmpi eq, %iota3A, %eq3A_130 : vector<16xi32>
    tpu.vector_store_idx %arg16[%get3A_125], %add3A_128 masked %eq3A_131 : memref<10016xi32, #tpu.memory_space<vmem>>[vector<16xi32>], vector<16xi32>, vector<16xi1>
    %eq3A_132 = arith.constant 1 : i32
    %eq3A_133 = vector.broadcast %eq3A_132 : i32 to vector<16xi32>
    %eq3A_134 = arith.cmpi eq, %iota3A, %eq3A_133 : vector<16xi32>
    tpu.vector_store_idx %arg16[%get3A_125], %add3A_128 masked %eq3A_134 : memref<10016xi32, #tpu.memory_space<vmem>>[vector<16xi32>], vector<16xi32>, vector<16xi1>
    %eq3A_135 = arith.constant 2 : i32
    %eq3A_136 = vector.broadcast %eq3A_135 : i32 to vector<16xi32>
    %eq3A_137 = arith.cmpi eq, %iota3A, %eq3A_136 : vector<16xi32>
    tpu.vector_store_idx %arg16[%get3A_125], %add3A_128 masked %eq3A_137 : memref<10016xi32, #tpu.memory_space<vmem>>[vector<16xi32>], vector<16xi32>, vector<16xi1>
    %eq3A_138 = arith.constant 3 : i32
    %eq3A_139 = vector.broadcast %eq3A_138 : i32 to vector<16xi32>
    %eq3A_140 = arith.cmpi eq, %iota3A, %eq3A_139 : vector<16xi32>
    tpu.vector_store_idx %arg16[%get3A_125], %add3A_128 masked %eq3A_140 : memref<10016xi32, #tpu.memory_space<vmem>>[vector<16xi32>], vector<16xi32>, vector<16xi1>
    %eq3A_141 = arith.constant 4 : i32
    %eq3A_142 = vector.broadcast %eq3A_141 : i32 to vector<16xi32>
    %eq3A_143 = arith.cmpi eq, %iota3A, %eq3A_142 : vector<16xi32>
    tpu.vector_store_idx %arg16[%get3A_125], %add3A_128 masked %eq3A_143 : memref<10016xi32, #tpu.memory_space<vmem>>[vector<16xi32>], vector<16xi32>, vector<16xi1>
    %eq3A_144 = arith.constant 5 : i32
    %eq3A_145 = vector.broadcast %eq3A_144 : i32 to vector<16xi32>
    %eq3A_146 = arith.cmpi eq, %iota3A, %eq3A_145 : vector<16xi32>
    tpu.vector_store_idx %arg16[%get3A_125], %add3A_128 masked %eq3A_146 : memref<10016xi32, #tpu.memory_space<vmem>>[vector<16xi32>], vector<16xi32>, vector<16xi1>
    %eq3A_147 = arith.constant 6 : i32
    %eq3A_148 = vector.broadcast %eq3A_147 : i32 to vector<16xi32>
    %eq3A_149 = arith.cmpi eq, %iota3A, %eq3A_148 : vector<16xi32>
    tpu.vector_store_idx %arg16[%get3A_125], %add3A_128 masked %eq3A_149 : memref<10016xi32, #tpu.memory_space<vmem>>[vector<16xi32>], vector<16xi32>, vector<16xi1>
    %eq3A_150 = arith.constant 7 : i32
    %eq3A_151 = vector.broadcast %eq3A_150 : i32 to vector<16xi32>
    %eq3A_152 = arith.cmpi eq, %iota3A, %eq3A_151 : vector<16xi32>
    tpu.vector_store_idx %arg16[%get3A_125], %add3A_128 masked %eq3A_152 : memref<10016xi32, #tpu.memory_space<vmem>>[vector<16xi32>], vector<16xi32>, vector<16xi1>
    %eq3A_153 = arith.constant 8 : i32
    %eq3A_154 = vector.broadcast %eq3A_153 : i32 to vector<16xi32>
    %eq3A_155 = arith.cmpi eq, %iota3A, %eq3A_154 : vector<16xi32>
    tpu.vector_store_idx %arg16[%get3A_125], %add3A_128 masked %eq3A_155 : memref<10016xi32, #tpu.memory_space<vmem>>[vector<16xi32>], vector<16xi32>, vector<16xi1>
    %eq3A_156 = arith.constant 9 : i32
    %eq3A_157 = vector.broadcast %eq3A_156 : i32 to vector<16xi32>
    %eq3A_158 = arith.cmpi eq, %iota3A, %eq3A_157 : vector<16xi32>
    tpu.vector_store_idx %arg16[%get3A_125], %add3A_128 masked %eq3A_158 : memref<10016xi32, #tpu.memory_space<vmem>>[vector<16xi32>], vector<16xi32>, vector<16xi1>
    %eq3A_159 = arith.constant 10 : i32
    %eq3A_160 = vector.broadcast %eq3A_159 : i32 to vector<16xi32>
    %eq3A_161 = arith.cmpi eq, %iota3A, %eq3A_160 : vector<16xi32>
    tpu.vector_store_idx %arg16[%get3A_125], %add3A_128 masked %eq3A_161 : memref<10016xi32, #tpu.memory_space<vmem>>[vector<16xi32>], vector<16xi32>, vector<16xi1>
    %eq3A_162 = arith.constant 11 : i32
    %eq3A_163 = vector.broadcast %eq3A_162 : i32 to vector<16xi32>
    %eq3A_164 = arith.cmpi eq, %iota3A, %eq3A_163 : vector<16xi32>
    tpu.vector_store_idx %arg16[%get3A_125], %add3A_128 masked %eq3A_164 : memref<10016xi32, #tpu.memory_space<vmem>>[vector<16xi32>], vector<16xi32>, vector<16xi1>
    %eq3A_165 = arith.constant 12 : i32
    %eq3A_166 = vector.broadcast %eq3A_165 : i32 to vector<16xi32>
    %eq3A_167 = arith.cmpi eq, %iota3A, %eq3A_166 : vector<16xi32>
    tpu.vector_store_idx %arg16[%get3A_125], %add3A_128 masked %eq3A_167 : memref<10016xi32, #tpu.memory_space<vmem>>[vector<16xi32>], vector<16xi32>, vector<16xi1>
    %eq3A_168 = arith.constant 13 : i32
    %eq3A_169 = vector.broadcast %eq3A_168 : i32 to vector<16xi32>
    %eq3A_170 = arith.cmpi eq, %iota3A, %eq3A_169 : vector<16xi32>
    tpu.vector_store_idx %arg16[%get3A_125], %add3A_128 masked %eq3A_170 : memref<10016xi32, #tpu.memory_space<vmem>>[vector<16xi32>], vector<16xi32>, vector<16xi1>
    %eq3A_171 = arith.constant 14 : i32
    %eq3A_172 = vector.broadcast %eq3A_171 : i32 to vector<16xi32>
    %eq3A_173 = arith.cmpi eq, %iota3A, %eq3A_172 : vector<16xi32>
    tpu.vector_store_idx %arg16[%get3A_125], %add3A_128 masked %eq3A_173 : memref<10016xi32, #tpu.memory_space<vmem>>[vector<16xi32>], vector<16xi32>, vector<16xi1>
    %eq3A_174 = arith.constant 15 : i32
    %eq3A_175 = vector.broadcast %eq3A_174 : i32 to vector<16xi32>
    %eq3A_176 = arith.cmpi eq, %iota3A, %eq3A_175 : vector<16xi32>
    tpu.vector_store_idx %arg16[%get3A_125], %add3A_128 masked %eq3A_176 : memref<10016xi32, #tpu.memory_space<vmem>>[vector<16xi32>], vector<16xi32>, vector<16xi1>
    %get3A_177 = arith.constant 48 : index
    %get3A_178 = tpu.vector_load %arg15[%get3A_177] {strides = array<i32>} : memref<64xi32, #tpu.memory_space<vmem>>, vector<16xi32>,
    %add3A_179 = arith.constant 48 : i32
    %add3A_180 = vector.broadcast %add3A_179 : i32 to vector<16xi32>
    %add3A_181 = arith.addi %iota3A, %add3A_180 : vector<16xi32>
    %eq3A_182 = arith.constant 0 : i32
    %eq3A_183 = vector.broadcast %eq3A_182 : i32 to vector<16xi32>
    %eq3A_184 = arith.cmpi eq, %iota3A, %eq3A_183 : vector<16xi32>
    tpu.vector_store_idx %arg16[%get3A_178], %add3A_181 masked %eq3A_184 : memref<10016xi32, #tpu.memory_space<vmem>>[vector<16xi32>], vector<16xi32>, vector<16xi1>
    %eq3A_185 = arith.constant 1 : i32
    %eq3A_186 = vector.broadcast %eq3A_185 : i32 to vector<16xi32>
    %eq3A_187 = arith.cmpi eq, %iota3A, %eq3A_186 : vector<16xi32>
    tpu.vector_store_idx %arg16[%get3A_178], %add3A_181 masked %eq3A_187 : memref<10016xi32, #tpu.memory_space<vmem>>[vector<16xi32>], vector<16xi32>, vector<16xi1>
    %eq3A_188 = arith.constant 2 : i32
    %eq3A_189 = vector.broadcast %eq3A_188 : i32 to vector<16xi32>
    %eq3A_190 = arith.cmpi eq, %iota3A, %eq3A_189 : vector<16xi32>
    tpu.vector_store_idx %arg16[%get3A_178], %add3A_181 masked %eq3A_190 : memref<10016xi32, #tpu.memory_space<vmem>>[vector<16xi32>], vector<16xi32>, vector<16xi1>
    %eq3A_191 = arith.constant 3 : i32
    %eq3A_192 = vector.broadcast %eq3A_191 : i32 to vector<16xi32>
    %eq3A_193 = arith.cmpi eq, %iota3A, %eq3A_192 : vector<16xi32>
    tpu.vector_store_idx %arg16[%get3A_178], %add3A_181 masked %eq3A_193 : memref<10016xi32, #tpu.memory_space<vmem>>[vector<16xi32>], vector<16xi32>, vector<16xi1>
    %eq3A_194 = arith.constant 4 : i32
    %eq3A_195 = vector.broadcast %eq3A_194 : i32 to vector<16xi32>
    %eq3A_196 = arith.cmpi eq, %iota3A, %eq3A_195 : vector<16xi32>
    tpu.vector_store_idx %arg16[%get3A_178], %add3A_181 masked %eq3A_196 : memref<10016xi32, #tpu.memory_space<vmem>>[vector<16xi32>], vector<16xi32>, vector<16xi1>
    %eq3A_197 = arith.constant 5 : i32
    %eq3A_198 = vector.broadcast %eq3A_197 : i32 to vector<16xi32>
    %eq3A_199 = arith.cmpi eq, %iota3A, %eq3A_198 : vector<16xi32>
    tpu.vector_store_idx %arg16[%get3A_178], %add3A_181 masked %eq3A_199 : memref<10016xi32, #tpu.memory_space<vmem>>[vector<16xi32>], vector<16xi32>, vector<16xi1>
    %eq3A_200 = arith.constant 6 : i32
    %eq3A_201 = vector.broadcast %eq3A_200 : i32 to vector<16xi32>
    %eq3A_202 = arith.cmpi eq, %iota3A, %eq3A_201 : vector<16xi32>
    tpu.vector_store_idx %arg16[%get3A_178], %add3A_181 masked %eq3A_202 : memref<10016xi32, #tpu.memory_space<vmem>>[vector<16xi32>], vector<16xi32>, vector<16xi1>
    %eq3A_203 = arith.constant 7 : i32
    %eq3A_204 = vector.broadcast %eq3A_203 : i32 to vector<16xi32>
    %eq3A_205 = arith.cmpi eq, %iota3A, %eq3A_204 : vector<16xi32>
    tpu.vector_store_idx %arg16[%get3A_178], %add3A_181 masked %eq3A_205 : memref<10016xi32, #tpu.memory_space<vmem>>[vector<16xi32>], vector<16xi32>, vector<16xi1>
    %eq3A_206 = arith.constant 8 : i32
    %eq3A_207 = vector.broadcast %eq3A_206 : i32 to vector<16xi32>
    %eq3A_208 = arith.cmpi eq, %iota3A, %eq3A_207 : vector<16xi32>
    tpu.vector_store_idx %arg16[%get3A_178], %add3A_181 masked %eq3A_208 : memref<10016xi32, #tpu.memory_space<vmem>>[vector<16xi32>], vector<16xi32>, vector<16xi1>
    %eq3A_209 = arith.constant 9 : i32
    %eq3A_210 = vector.broadcast %eq3A_209 : i32 to vector<16xi32>
    %eq3A_211 = arith.cmpi eq, %iota3A, %eq3A_210 : vector<16xi32>
    tpu.vector_store_idx %arg16[%get3A_178], %add3A_181 masked %eq3A_211 : memref<10016xi32, #tpu.memory_space<vmem>>[vector<16xi32>], vector<16xi32>, vector<16xi1>
    %eq3A_212 = arith.constant 10 : i32
    %eq3A_213 = vector.broadcast %eq3A_212 : i32 to vector<16xi32>
    %eq3A_214 = arith.cmpi eq, %iota3A, %eq3A_213 : vector<16xi32>
    tpu.vector_store_idx %arg16[%get3A_178], %add3A_181 masked %eq3A_214 : memref<10016xi32, #tpu.memory_space<vmem>>[vector<16xi32>], vector<16xi32>, vector<16xi1>
    %eq3A_215 = arith.constant 11 : i32
    %eq3A_216 = vector.broadcast %eq3A_215 : i32 to vector<16xi32>
    %eq3A_217 = arith.cmpi eq, %iota3A, %eq3A_216 : vector<16xi32>
    tpu.vector_store_idx %arg16[%get3A_178], %add3A_181 masked %eq3A_217 : memref<10016xi32, #tpu.memory_space<vmem>>[vector<16xi32>], vector<16xi32>, vector<16xi1>
    %eq3A_218 = arith.constant 12 : i32
    %eq3A_219 = vector.broadcast %eq3A_218 : i32 to vector<16xi32>
    %eq3A_220 = arith.cmpi eq, %iota3A, %eq3A_219 : vector<16xi32>
    tpu.vector_store_idx %arg16[%get3A_178], %add3A_181 masked %eq3A_220 : memref<10016xi32, #tpu.memory_space<vmem>>[vector<16xi32>], vector<16xi32>, vector<16xi1>
    %eq3A_221 = arith.constant 13 : i32
    %eq3A_222 = vector.broadcast %eq3A_221 : i32 to vector<16xi32>
    %eq3A_223 = arith.cmpi eq, %iota3A, %eq3A_222 : vector<16xi32>
    tpu.vector_store_idx %arg16[%get3A_178], %add3A_181 masked %eq3A_223 : memref<10016xi32, #tpu.memory_space<vmem>>[vector<16xi32>], vector<16xi32>, vector<16xi1>
    %eq3A_224 = arith.constant 14 : i32
    %eq3A_225 = vector.broadcast %eq3A_224 : i32 to vector<16xi32>
    %eq3A_226 = arith.cmpi eq, %iota3A, %eq3A_225 : vector<16xi32>
    tpu.vector_store_idx %arg16[%get3A_178], %add3A_181 masked %eq3A_226 : memref<10016xi32, #tpu.memory_space<vmem>>[vector<16xi32>], vector<16xi32>, vector<16xi1>
    %eq3A_227 = arith.constant 15 : i32
    %eq3A_228 = vector.broadcast %eq3A_227 : i32 to vector<16xi32>
    %eq3A_229 = arith.cmpi eq, %iota3A, %eq3A_228 : vector<16xi32>
    tpu.vector_store_idx %arg16[%get3A_178], %add3A_181 masked %eq3A_229 : memref<10016xi32, #tpu.memory_space<vmem>>[vector<16xi32>], vector<16xi32>, vector<16xi1>
    %dma_wait3A = arith.constant 0 : i32
    %dma_wait3A_230 = tpu.memref_slice %arg14[%dma_wait3A] : memref<5056xi32, #tpu.memory_space<vmem>> -> memref<5000xi32, #tpu.memory_space<vmem>>
    %dma_wait3A_231 = tpu.memref_slice %arg4[%mul3A_2] : memref<160000xi32, #tpu.memory_space<hbm>> -> memref<5000xi32, #tpu.memory_space<hbm>>
    %dma_wait3A_232 = arith.constant 0 : i32
    %dma_wait3A_233 = tpu.memref_slice %arg14[%dma_wait3A_232] : memref<5056xi32, #tpu.memory_space<vmem>> -> memref<5000xi32, #tpu.memory_space<vmem>>
    %dma_wait3A_234 = tpu.memref_slice %arg4[%mul3A_2] : memref<160000xi32, #tpu.memory_space<hbm>> -> memref<5000xi32, #tpu.memory_space<hbm>>
    tpu.wait_dma2 semaphore(%arg19 : memref<!tpu.dma_semaphore, #tpu.memory_space<semaphore_mem>>) src(%dma_wait3A_234 : memref<5000xi32, #tpu.memory_space<hbm>>) dst(%dma_wait3A_233 : memref<5000xi32, #tpu.memory_space<vmem>>)
    %dma_wait3A_235 = arith.constant 0 : i32
    %dma_wait3A_236 = tpu.memref_slice %arg26[%dma_wait3A_235] : memref<5056xi32, #tpu.memory_space<vmem>> -> memref<5000xi32, #tpu.memory_space<vmem>>
    %dma_wait3A_237 = tpu.memref_slice %arg3[%mul3A_9] : memref<160000xi32, #tpu.memory_space<hbm>> -> memref<5000xi32, #tpu.memory_space<hbm>>
    %dma_wait3A_238 = arith.constant 0 : i32
    %dma_wait3A_239 = tpu.memref_slice %arg26[%dma_wait3A_238] : memref<5056xi32, #tpu.memory_space<vmem>> -> memref<5000xi32, #tpu.memory_space<vmem>>
    %dma_wait3A_240 = tpu.memref_slice %arg3[%mul3A_9] : memref<160000xi32, #tpu.memory_space<hbm>> -> memref<5000xi32, #tpu.memory_space<hbm>>
    tpu.wait_dma2 semaphore(%arg20 : memref<!tpu.dma_semaphore, #tpu.memory_space<semaphore_mem>>) src(%dma_wait3A_240 : memref<5000xi32, #tpu.memory_space<hbm>>) dst(%dma_wait3A_239 : memref<5000xi32, #tpu.memory_space<vmem>>)
    tpu.wait_dma2 semaphore(%arg22 : memref<!tpu.dma_semaphore, #tpu.memory_space<semaphore_mem>>) src(%arg7 : memref<20480xf32, #tpu.memory_space<hbm>>) dst(%arg12 : memref<20480xf32, #tpu.memory_space<vmem>>)
    %dma_wait3A_241 = arith.constant 0 : i32
    %dma_wait3A_242 = tpu.memref_slice %arg7[%dma_wait3A_241] : memref<20480xf32, #tpu.memory_space<hbm>> -> memref<1280xf32, #tpu.memory_space<hbm>>
    %dma_wait3A_243 = arith.constant 0 : i32
    %dma_wait3A_244 = tpu.memref_slice %arg7[%dma_wait3A_243] : memref<20480xf32, #tpu.memory_space<hbm>> -> memref<1280xf32, #tpu.memory_space<hbm>>
    tpu.wait_dma2 semaphore(%arg23 : memref<!tpu.dma_semaphore, #tpu.memory_space<semaphore_mem>>) src(%dma_wait3A_244 : memref<1280xf32, #tpu.memory_space<hbm>>) dst(%arg13 : memref<1280xf32, #tpu.memory_space<vmem>>)
    %get3A_245 = arith.constant 4992 : index
    %get3A_246 = tpu.vector_load %arg14[%get3A_245] {strides = array<i32>} : memref<5056xi32, #tpu.memory_space<vmem>>, vector<16xi32>,
    %lt3A = arith.constant 8 : i32
    %lt3A_247 = vector.broadcast %lt3A : i32 to vector<16xi32>
    %lt3A_248 = arith.cmpi slt, %iota3A, %lt3A_247 : vector<16xi32>
    %jit3A = arith.constant 10000 : i32
    %broadcast_in_dim3A = vector.broadcast %jit3A : i32 to vector<16xi32>
    %select_n3A = arith.select %lt3A_248, %get3A_246, %broadcast_in_dim3A : vector<16xi1>, vector<16xi32>
    %swap3A = arith.constant 4992 : index
    %swap3A_249 = tpu.vector_load %arg14[%swap3A] {strides = array<i32>} : memref<5056xi32, #tpu.memory_space<vmem>>, vector<16xi32>,
    tpu.vector_store %arg14[%swap3A], %select_n3A {strides = array<i32>} : memref<5056xi32, #tpu.memory_space<vmem>>, vector<16xi32>,
    %get3A_250 = arith.constant 5008 : index
    %get3A_251 = tpu.vector_load %arg14[%get3A_250] {strides = array<i32>} : memref<5056xi32, #tpu.memory_space<vmem>>, vector<16xi32>,
    %lt3A_252 = arith.constant -8 : i32
    %lt3A_253 = vector.broadcast %lt3A_252 : i32 to vector<16xi32>
    %lt3A_254 = arith.cmpi slt, %iota3A, %lt3A_253 : vector<16xi32>
    %jit3A_255 = arith.constant 10000 : i32
    %broadcast_in_dim3A_256 = vector.broadcast %jit3A_255 : i32 to vector<16xi32>
    %select_n3A_257 = arith.select %lt3A_254, %get3A_251, %broadcast_in_dim3A_256 : vector<16xi1>, vector<16xi32>
    %swap3A_258 = arith.constant 5008 : index
    %swap3A_259 = tpu.vector_load %arg14[%swap3A_258] {strides = array<i32>} : memref<5056xi32, #tpu.memory_space<vmem>>, vector<16xi32>,
    tpu.vector_store %arg14[%swap3A_258], %select_n3A_257 {strides = array<i32>} : memref<5056xi32, #tpu.memory_space<vmem>>, vector<16xi32>,
    %get3A_260 = arith.constant 5024 : index
    %get3A_261 = tpu.vector_load %arg14[%get3A_260] {strides = array<i32>} : memref<5056xi32, #tpu.memory_space<vmem>>, vector<16xi32>,
    %lt3A_262 = arith.constant -24 : i32
    %lt3A_263 = vector.broadcast %lt3A_262 : i32 to vector<16xi32>
    %lt3A_264 = arith.cmpi slt, %iota3A, %lt3A_263 : vector<16xi32>
    %jit3A_265 = arith.constant 10000 : i32
    %broadcast_in_dim3A_266 = vector.broadcast %jit3A_265 : i32 to vector<16xi32>
    %select_n3A_267 = arith.select %lt3A_264, %get3A_261, %broadcast_in_dim3A_266 : vector<16xi1>, vector<16xi32>
    %swap3A_268 = arith.constant 5024 : index
    %swap3A_269 = tpu.vector_load %arg14[%swap3A_268] {strides = array<i32>} : memref<5056xi32, #tpu.memory_space<vmem>>, vector<16xi32>,
    tpu.vector_store %arg14[%swap3A_268], %select_n3A_267 {strides = array<i32>} : memref<5056xi32, #tpu.memory_space<vmem>>, vector<16xi32>,
    %get3A_270 = arith.constant 5040 : index
    %get3A_271 = tpu.vector_load %arg14[%get3A_270] {strides = array<i32>} : memref<5056xi32, #tpu.memory_space<vmem>>, vector<16xi32>,
    %lt3A_272 = arith.constant -40 : i32
    %lt3A_273 = vector.broadcast %lt3A_272 : i32 to vector<16xi32>
    %lt3A_274 = arith.cmpi slt, %iota3A, %lt3A_273 : vector<16xi32>
    %jit3A_275 = arith.constant 10000 : i32
    %broadcast_in_dim3A_276 = vector.broadcast %jit3A_275 : i32 to vector<16xi32>
    %select_n3A_277 = arith.select %lt3A_274, %get3A_271, %broadcast_in_dim3A_276 : vector<16xi1>, vector<16xi32>
    %swap3A_278 = arith.constant 5040 : index
    %swap3A_279 = tpu.vector_load %arg14[%swap3A_278] {strides = array<i32>} : memref<5056xi32, #tpu.memory_space<vmem>>, vector<16xi32>,
    tpu.vector_store %arg14[%swap3A_278], %select_n3A_277 {strides = array<i32>} : memref<5056xi32, #tpu.memory_space<vmem>>, vector<16xi32>,
    %eq3A_280 = arith.constant 0 : i32
    %eq3A_281 = arith.cmpi eq, %arg0, %eq3A_280 : i32
    %eq3A_282 = arith.constant 3 : i32
    %eq3A_283 = arith.cmpi eq, %arg1, %eq3A_282 : i32
    %and3A = arith.andi %eq3A_281, %eq3A_283 : i1
    %convert_element_type3A = arith.extui %and3A : i1 to i32
    %cond3A = arith.constant 0 : i32
    %cond3A_284 = arith.cmpi ne, %convert_element_type3A, %cond3A : i32
    scf.if %cond3A_284 {
      %dma_start3A_353 = arith.constant 0 : i32
      %dma_start3A_354 = tpu.memref_slice %arg15[%dma_start3A_353] : memref<64xi32, #tpu.memory_space<vmem>> -> memref<32xi32, #tpu.memory_space<vmem>>
      %dma_start3A_355 = arith.constant 0 : i32
      %dma_start3A_356 = arith.constant 0 : i32
      %dma_start3A_357 = tpu.memref_slice %arg2[%dma_start3A_355, %dma_start3A_356] : memref<10000x256xf32, #tpu.memory_space<hbm>> -> memref<10000x256xf32, #tpu.memory_space<hbm>>
      tpu.enqueue_indirect_dma source(%dma_start3A_357 : memref<10000x256xf32, #tpu.memory_space<hbm>>) target(%arg18 : memref<32x256xf32, #tpu.memory_space<vmem>>) offsets(%dma_start3A_354 : memref<32xi32, #tpu.memory_space<vmem>>) semaphore(%arg19 : memref<!tpu.dma_semaphore, #tpu.memory_space<semaphore_mem>>)
      %dma_wait3A_358 = arith.constant 0 : i32
      %dma_wait3A_359 = tpu.memref_slice %arg15[%dma_wait3A_358] : memref<64xi32, #tpu.memory_space<vmem>> -> memref<32xi32, #tpu.memory_space<vmem>>
      %dma_wait3A_360 = arith.constant 0 : i32
      %dma_wait3A_361 = arith.constant 0 : i32
      %dma_wait3A_362 = tpu.memref_slice %arg2[%dma_wait3A_360, %dma_wait3A_361] : memref<10000x256xf32, #tpu.memory_space<hbm>> -> memref<10000x256xf32, #tpu.memory_space<hbm>>
      tpu.wait_indirect_dma semaphore(%arg19 : memref<!tpu.dma_semaphore, #tpu.memory_space<semaphore_mem>>) src(%dma_wait3A_362 : memref<10000x256xf32, #tpu.memory_space<hbm>>) dst(%arg18 : memref<32x256xf32, #tpu.memory_space<vmem>>)
      "tpu.region"() ({
        %run_scoped3A = tpu.sem_alloc : memref<!tpu.dma_semaphore, #tpu.memory_space<semaphore_mem>>
        %dma_start3A_373 = arith.constant 0 : i32
        %dma_start3A_374 = arith.constant 0 : i32
        %dma_start3A_375 = tpu.memref_slice %arg11[%dma_start3A_373, %dma_start3A_374] : memref<64x256xf32, #tpu.memory_space<hbm>> -> memref<32x256xf32, #tpu.memory_space<hbm>>
        %dma_start3A_376 = arith.constant 0 : i32
        %dma_start3A_377 = arith.constant 0 : i32
        %dma_start3A_378 = tpu.memref_slice %arg11[%dma_start3A_376, %dma_start3A_377] : memref<64x256xf32, #tpu.memory_space<hbm>> -> memref<32x256xf32, #tpu.memory_space<hbm>>
        tpu.enqueue_dma source(%arg18 : memref<32x256xf32, #tpu.memory_space<vmem>>) target(%dma_start3A_378 : memref<32x256xf32, #tpu.memory_space<hbm>>) target_semaphore(%run_scoped3A : memref<!tpu.dma_semaphore, #tpu.memory_space<semaphore_mem>>)
        %dma_wait3A_379 = arith.constant 0 : i32
        %dma_wait3A_380 = arith.constant 0 : i32
        %dma_wait3A_381 = tpu.memref_slice %arg11[%dma_wait3A_379, %dma_wait3A_380] : memref<64x256xf32, #tpu.memory_space<hbm>> -> memref<32x256xf32, #tpu.memory_space<hbm>>
        %dma_wait3A_382 = arith.constant 0 : i32
        %dma_wait3A_383 = arith.constant 0 : i32
        %dma_wait3A_384 = tpu.memref_slice %arg11[%dma_wait3A_382, %dma_wait3A_383] : memref<64x256xf32, #tpu.memory_space<hbm>> -> memref<32x256xf32, #tpu.memory_space<hbm>>
        tpu.wait_dma2 semaphore(%run_scoped3A : memref<!tpu.dma_semaphore, #tpu.memory_space<semaphore_mem>>) src(%arg18 : memref<32x256xf32, #tpu.memory_space<vmem>>) dst(%dma_wait3A_384 : memref<32x256xf32, #tpu.memory_space<hbm>>)
        tpu.yield
      }) : () -> ()
      %dma_start3A_363 = arith.constant 32 : i32
      %dma_start3A_364 = tpu.memref_slice %arg15[%dma_start3A_363] : memref<64xi32, #tpu.memory_space<vmem>> -> memref<32xi32, #tpu.memory_space<vmem>>
      %dma_start3A_365 = arith.constant 0 : i32
      %dma_start3A_366 = arith.constant 0 : i32
      %dma_start3A_367 = tpu.memref_slice %arg2[%dma_start3A_365, %dma_start3A_366] : memref<10000x256xf32, #tpu.memory_space<hbm>> -> memref<10000x256xf32, #tpu.memory_space<hbm>>
      tpu.enqueue_indirect_dma source(%dma_start3A_367 : memref<10000x256xf32, #tpu.memory_space<hbm>>) target(%arg18 : memref<32x256xf32, #tpu.memory_space<vmem>>) offsets(%dma_start3A_364 : memref<32xi32, #tpu.memory_space<vmem>>) semaphore(%arg19 : memref<!tpu.dma_semaphore, #tpu.memory_space<semaphore_mem>>)
      %dma_wait3A_368 = arith.constant 32 : i32
      %dma_wait3A_369 = tpu.memref_slice %arg15[%dma_wait3A_368] : memref<64xi32, #tpu.memory_space<vmem>> -> memref<32xi32, #tpu.memory_space<vmem>>
      %dma_wait3A_370 = arith.constant 0 : i32
      %dma_wait3A_371 = arith.constant 0 : i32
      %dma_wait3A_372 = tpu.memref_slice %arg2[%dma_wait3A_370, %dma_wait3A_371] : memref<10000x256xf32, #tpu.memory_space<hbm>> -> memref<10000x256xf32, #tpu.memory_space<hbm>>
      tpu.wait_indirect_dma semaphore(%arg19 : memref<!tpu.dma_semaphore, #tpu.memory_space<semaphore_mem>>) src(%dma_wait3A_372 : memref<10000x256xf32, #tpu.memory_space<hbm>>) dst(%arg18 : memref<32x256xf32, #tpu.memory_space<vmem>>)
      "tpu.region"() ({
        %run_scoped3A = tpu.sem_alloc : memref<!tpu.dma_semaphore, #tpu.memory_space<semaphore_mem>>
        %dma_start3A_373 = arith.constant 32 : i32
        %dma_start3A_374 = arith.constant 0 : i32
        %dma_start3A_375 = tpu.memref_slice %arg11[%dma_start3A_373, %dma_start3A_374] : memref<64x256xf32, #tpu.memory_space<hbm>> -> memref<32x256xf32, #tpu.memory_space<hbm>>
        %dma_start3A_376 = arith.constant 32 : i32
        %dma_start3A_377 = arith.constant 0 : i32
        %dma_start3A_378 = tpu.memref_slice %arg11[%dma_start3A_376, %dma_start3A_377] : memref<64x256xf32, #tpu.memory_space<hbm>> -> memref<32x256xf32, #tpu.memory_space<hbm>>
        tpu.enqueue_dma source(%arg18 : memref<32x256xf32, #tpu.memory_space<vmem>>) target(%dma_start3A_378 : memref<32x256xf32, #tpu.memory_space<hbm>>) target_semaphore(%run_scoped3A : memref<!tpu.dma_semaphore, #tpu.memory_space<semaphore_mem>>)
        %dma_wait3A_379 = arith.constant 32 : i32
        %dma_wait3A_380 = arith.constant 0 : i32
        %dma_wait3A_381 = tpu.memref_slice %arg11[%dma_wait3A_379, %dma_wait3A_380] : memref<64x256xf32, #tpu.memory_space<hbm>> -> memref<32x256xf32, #tpu.memory_space<hbm>>
        %dma_wait3A_382 = arith.constant 32 : i32
        %dma_wait3A_383 = arith.constant 0 : i32
        %dma_wait3A_384 = tpu.memref_slice %arg11[%dma_wait3A_382, %dma_wait3A_383] : memref<64x256xf32, #tpu.memory_space<hbm>> -> memref<32x256xf32, #tpu.memory_space<hbm>>
        tpu.wait_dma2 semaphore(%run_scoped3A : memref<!tpu.dma_semaphore, #tpu.memory_space<semaphore_mem>>) src(%arg18 : memref<32x256xf32, #tpu.memory_space<vmem>>) dst(%dma_wait3A_384 : memref<32x256xf32, #tpu.memory_space<hbm>>)
        tpu.yield
      }) : () -> ()
    } else {
    }
    %scan3A = arith.constant 0 : i32
    %scan3A_285 = arith.constant 0 : i32
    %scan3A_286 = arith.constant 79 : i32
    %scan3A_287 = arith.addi %scan3A_285, %scan3A_286 : i32
    %scan3A_288 = arith.constant 1 : i32
    %scan3A_289 = scf.for %scan3A_353 = %scan3A_285 to %scan3A_287 step %scan3A_288 iter_args(%scan3A_354 = %scan3A) -> (i32)  : i32 {
      %mul3A_355 = arith.constant 64 : i32
      %mul3A_356 = arith.muli %scan3A_353, %mul3A_355 : i32
      %add3A_357 = arith.constant 0 : i32
      %add3A_358 = arith.addi %mul3A_356, %add3A_357 : i32
      %get3A_359 = arith.index_cast %add3A_358 : i32 to index
      %get3A_360 = tpu.vector_load %arg14[%get3A_359] {strides = array<i32>} : memref<5056xi32, #tpu.memory_space<vmem>>, vector<16xi32>,
      %gather3A = tpu.vector_load_idx %arg16[%get3A_360] : memref<10016xi32, #tpu.memory_space<vmem>>[vector<16xi32>], vector<16xi32>,
      %ge3A = arith.constant 0 : i32
      %ge3A_361 = vector.broadcast %ge3A : i32 to vector<16xi32>
      %ge3A_362 = arith.cmpi sge, %gather3A, %ge3A_361 : vector<16xi32>
      %add3A_363 = arith.constant 16 : i32
      %add3A_364 = arith.addi %mul3A_356, %add3A_363 : i32
      %get3A_365 = arith.index_cast %add3A_364 : i32 to index
      %get3A_366 = tpu.vector_load %arg14[%get3A_365] {strides = array<i32>} : memref<5056xi32, #tpu.memory_space<vmem>>, vector<16xi32>,
      %gather3A_367 = tpu.vector_load_idx %arg16[%get3A_366] : memref<10016xi32, #tpu.memory_space<vmem>>[vector<16xi32>], vector<16xi32>,
      %ge3A_368 = arith.constant 0 : i32
      %ge3A_369 = vector.broadcast %ge3A_368 : i32 to vector<16xi32>
      %ge3A_370 = arith.cmpi sge, %gather3A_367, %ge3A_369 : vector<16xi32>
      %add3A_371 = arith.constant 32 : i32
      %add3A_372 = arith.addi %mul3A_356, %add3A_371 : i32
      %get3A_373 = arith.index_cast %add3A_372 : i32 to index
      %get3A_374 = tpu.vector_load %arg14[%get3A_373] {strides = array<i32>} : memref<5056xi32, #tpu.memory_space<vmem>>, vector<16xi32>,
      %gather3A_375 = tpu.vector_load_idx %arg16[%get3A_374] : memref<10016xi32, #tpu.memory_space<vmem>>[vector<16xi32>], vector<16xi32>,
      %ge3A_376 = arith.constant 0 : i32
      %ge3A_377 = vector.broadcast %ge3A_376 : i32 to vector<16xi32>
      %ge3A_378 = arith.cmpi sge, %gather3A_375, %ge3A_377 : vector<16xi32>
      %add3A_379 = arith.constant 48 : i32
      %add3A_380 = arith.addi %mul3A_356, %add3A_379 : i32
      %get3A_381 = arith.index_cast %add3A_380 : i32 to index
      %get3A_382 = tpu.vector_load %arg14[%get3A_381] {strides = array<i32>} : memref<5056xi32, #tpu.memory_space<vmem>>, vector<16xi32>,
      %gather3A_383 = tpu.vector_load_idx %arg16[%get3A_382] : memref<10016xi32, #tpu.memory_space<vmem>>[vector<16xi32>], vector<16xi32>,
      %ge3A_384 = arith.constant 0 : i32
      %ge3A_385 = vector.broadcast %ge3A_384 : i32 to vector<16xi32>
      %ge3A_386 = arith.cmpi sge, %gather3A_383, %ge3A_385 : vector<16xi32>
      %or3A = arith.ori %ge3A_362, %ge3A_370 : vector<16xi1>
      %or3A_387 = arith.ori %or3A, %ge3A_378 : vector<16xi1>
      %or3A_388 = arith.ori %or3A_387, %ge3A_386 : vector<16xi1>
      %reduce_or3A = arith.constant 1.000000e+00 : f32
      %reduce_or3A_389 = arith.constant 0.000000e+00 : f32
      %reduce_or3A_390 = vector.broadcast %reduce_or3A : f32 to vector<16xf32>
      %reduce_or3A_391 = vector.broadcast %reduce_or3A_389 : f32 to vector<16xf32>
      %reduce_or3A_392 = arith.select %or3A_388, %reduce_or3A_390, %reduce_or3A_391 : vector<16xi1>, vector<16xf32>
      %reduce_or3A_393 = arith.constant true
      %reduce_or3A_394 = vector.broadcast %reduce_or3A_393 : i1 to vector<16xi1>
      %reduce_or3A_395 = tpu.scan <max>, %reduce_or3A_392 masked %reduce_or3A_394 : vector<16xf32>, vector<16xi1> -> vector<16xf32>
      %reduce_or3A_396 = vector.extract %reduce_or3A_395[15] : f32 from vector<16xf32>
      %reduce_or3A_397 = arith.constant 0.000000e+00 : f32
      %reduce_or3A_398 = arith.cmpf ogt, %reduce_or3A_396, %reduce_or3A_397 : f32
      %convert_element_type3A_399 = arith.extui %reduce_or3A_398 : i1 to i32
      %cond3A_400 = arith.constant 0 : i32
      %cond3A_401 = arith.cmpi ne, %convert_element_type3A_399, %cond3A_400 : i32
      %cond3A_402 = scf.if %cond3A_401 -> (i32) {
        %add3A_403 = arith.constant 0 : i32
        %add3A_404 = arith.addi %mul3A_356, %add3A_403 : i32
        %get3A_405 = arith.index_cast %add3A_404 : i32 to index
        %get3A_406 = tpu.vector_load %arg26[%get3A_405] {strides = array<i32>} : memref<5056xi32, #tpu.memory_space<vmem>>, vector<16xi32>,
        %jit3A_407 = arith.constant 1 : i32
        %jit3A_408 = arith.constant 0 : i32
        %broadcast_in_dim3A_409 = vector.broadcast %jit3A_407 : i32 to vector<16xi32>
        %broadcast_in_dim3A_410 = vector.broadcast %jit3A_408 : i32 to vector<16xi32>
        %select_n3A_411 = arith.select %ge3A_362, %broadcast_in_dim3A_409, %broadcast_in_dim3A_410 : vector<16xi1>, vector<16xi32>
        %broadcast_in_dim3A_412 = arith.constant true
        %broadcast_in_dim3A_413 = vector.broadcast %broadcast_in_dim3A_412 : i1 to vector<16xi1>
        %masked_cumsum3A = tpu.scan <sum>, %select_n3A_411 masked %broadcast_in_dim3A_413 : vector<16xi32>, vector<16xi1> -> vector<16xi32>
        %add3A_414 = vector.broadcast %scan3A_354 : i32 to vector<16xi32>
        %add3A_415 = arith.addi %add3A_414, %masked_cumsum3A : vector<16xi32>
        %sub3A_416 = arith.constant 1 : i32
        %sub3A_417 = vector.broadcast %sub3A_416 : i32 to vector<16xi32>
        %sub3A_418 = arith.subi %add3A_415, %sub3A_417 : vector<16xi32>
        %add3A_419 = arith.constant 5048 : i32
        %add3A_420 = vector.broadcast %add3A_419 : i32 to vector<16xi32>
        %add3A_421 = arith.addi %add3A_420, %iota3A : vector<16xi32>
        %select_n3A_422 = arith.select %ge3A_362, %sub3A_418, %add3A_421 : vector<16xi1>, vector<16xi32>
        tpu.vector_store_idx %arg24[%select_n3A_422], %gather3A masked %ge3A_362 : memref<5064xi32, #tpu.memory_space<vmem>>[vector<16xi32>], vector<16xi32>, vector<16xi1>
        tpu.vector_store_idx %arg27[%select_n3A_422], %get3A_406 masked %ge3A_362 : memref<5064xi32, #tpu.memory_space<vmem>>[vector<16xi32>], vector<16xi32>, vector<16xi1>
        %slice3A = vector.extract_strided_slice %masked_cumsum3A {offsets = [15], sizes = [1], strides = [1]} : vector<16xi32> to vector<1xi32>
        %squeeze3A = vector.extract %slice3A[0] : i32 from vector<1xi32>
        %add3A_423 = arith.addi %scan3A_354, %squeeze3A : i32
        %add3A_424 = arith.constant 16 : i32
        %add3A_425 = arith.addi %mul3A_356, %add3A_424 : i32
        %get3A_426 = arith.index_cast %add3A_425 : i32 to index
        %get3A_427 = tpu.vector_load %arg26[%get3A_426] {strides = array<i32>} : memref<5056xi32, #tpu.memory_space<vmem>>, vector<16xi32>,
        %jit3A_428 = arith.constant 1 : i32
        %jit3A_429 = arith.constant 0 : i32
        %broadcast_in_dim3A_430 = vector.broadcast %jit3A_428 : i32 to vector<16xi32>
        %broadcast_in_dim3A_431 = vector.broadcast %jit3A_429 : i32 to vector<16xi32>
        %select_n3A_432 = arith.select %ge3A_370, %broadcast_in_dim3A_430, %broadcast_in_dim3A_431 : vector<16xi1>, vector<16xi32>
        %broadcast_in_dim3A_433 = arith.constant true
        %broadcast_in_dim3A_434 = vector.broadcast %broadcast_in_dim3A_433 : i1 to vector<16xi1>
        %masked_cumsum3A_435 = tpu.scan <sum>, %select_n3A_432 masked %broadcast_in_dim3A_434 : vector<16xi32>, vector<16xi1> -> vector<16xi32>
        %add3A_436 = vector.broadcast %add3A_423 : i32 to vector<16xi32>
        %add3A_437 = arith.addi %add3A_436, %masked_cumsum3A_435 : vector<16xi32>
        %sub3A_438 = arith.constant 1 : i32
        %sub3A_439 = vector.broadcast %sub3A_438 : i32 to vector<16xi32>
        %sub3A_440 = arith.subi %add3A_437, %sub3A_439 : vector<16xi32>
        %add3A_441 = arith.constant 5048 : i32
        %add3A_442 = vector.broadcast %add3A_441 : i32 to vector<16xi32>
        %add3A_443 = arith.addi %add3A_442, %iota3A : vector<16xi32>
        %select_n3A_444 = arith.select %ge3A_370, %sub3A_440, %add3A_443 : vector<16xi1>, vector<16xi32>
        tpu.vector_store_idx %arg24[%select_n3A_444], %gather3A_367 masked %ge3A_370 : memref<5064xi32, #tpu.memory_space<vmem>>[vector<16xi32>], vector<16xi32>, vector<16xi1>
        tpu.vector_store_idx %arg27[%select_n3A_444], %get3A_427 masked %ge3A_370 : memref<5064xi32, #tpu.memory_space<vmem>>[vector<16xi32>], vector<16xi32>, vector<16xi1>
        %slice3A_445 = vector.extract_strided_slice %masked_cumsum3A_435 {offsets = [15], sizes = [1], strides = [1]} : vector<16xi32> to vector<1xi32>
        %squeeze3A_446 = vector.extract %slice3A_445[0] : i32 from vector<1xi32>
        %add3A_447 = arith.addi %add3A_423, %squeeze3A_446 : i32
        %add3A_448 = arith.constant 32 : i32
        %add3A_449 = arith.addi %mul3A_356, %add3A_448 : i32
        %get3A_450 = arith.index_cast %add3A_449 : i32 to index
        %get3A_451 = tpu.vector_load %arg26[%get3A_450] {strides = array<i32>} : memref<5056xi32, #tpu.memory_space<vmem>>, vector<16xi32>,
        %jit3A_452 = arith.constant 1 : i32
        %jit3A_453 = arith.constant 0 : i32
        %broadcast_in_dim3A_454 = vector.broadcast %jit3A_452 : i32 to vector<16xi32>
        %broadcast_in_dim3A_455 = vector.broadcast %jit3A_453 : i32 to vector<16xi32>
        %select_n3A_456 = arith.select %ge3A_378, %broadcast_in_dim3A_454, %broadcast_in_dim3A_455 : vector<16xi1>, vector<16xi32>
        %broadcast_in_dim3A_457 = arith.constant true
        %broadcast_in_dim3A_458 = vector.broadcast %broadcast_in_dim3A_457 : i1 to vector<16xi1>
        %masked_cumsum3A_459 = tpu.scan <sum>, %select_n3A_456 masked %broadcast_in_dim3A_458 : vector<16xi32>, vector<16xi1> -> vector<16xi32>
        %add3A_460 = vector.broadcast %add3A_447 : i32 to vector<16xi32>
        %add3A_461 = arith.addi %add3A_460, %masked_cumsum3A_459 : vector<16xi32>
        %sub3A_462 = arith.constant 1 : i32
        %sub3A_463 = vector.broadcast %sub3A_462 : i32 to vector<16xi32>
        %sub3A_464 = arith.subi %add3A_461, %sub3A_463 : vector<16xi32>
        %add3A_465 = arith.constant 5048 : i32
        %add3A_466 = vector.broadcast %add3A_465 : i32 to vector<16xi32>
        %add3A_467 = arith.addi %add3A_466, %iota3A : vector<16xi32>
        %select_n3A_468 = arith.select %ge3A_378, %sub3A_464, %add3A_467 : vector<16xi1>, vector<16xi32>
        tpu.vector_store_idx %arg24[%select_n3A_468], %gather3A_375 masked %ge3A_378 : memref<5064xi32, #tpu.memory_space<vmem>>[vector<16xi32>], vector<16xi32>, vector<16xi1>
        tpu.vector_store_idx %arg27[%select_n3A_468], %get3A_451 masked %ge3A_378 : memref<5064xi32, #tpu.memory_space<vmem>>[vector<16xi32>], vector<16xi32>, vector<16xi1>
        %slice3A_469 = vector.extract_strided_slice %masked_cumsum3A_459 {offsets = [15], sizes = [1], strides = [1]} : vector<16xi32> to vector<1xi32>
        %squeeze3A_470 = vector.extract %slice3A_469[0] : i32 from vector<1xi32>
        %add3A_471 = arith.addi %add3A_447, %squeeze3A_470 : i32
        %add3A_472 = arith.constant 48 : i32
        %add3A_473 = arith.addi %mul3A_356, %add3A_472 : i32
        %get3A_474 = arith.index_cast %add3A_473 : i32 to index
        %get3A_475 = tpu.vector_load %arg26[%get3A_474] {strides = array<i32>} : memref<5056xi32, #tpu.memory_space<vmem>>, vector<16xi32>,
        %jit3A_476 = arith.constant 1 : i32
        %jit3A_477 = arith.constant 0 : i32
        %broadcast_in_dim3A_478 = vector.broadcast %jit3A_476 : i32 to vector<16xi32>
        %broadcast_in_dim3A_479 = vector.broadcast %jit3A_477 : i32 to vector<16xi32>
        %select_n3A_480 = arith.select %ge3A_386, %broadcast_in_dim3A_478, %broadcast_in_dim3A_479 : vector<16xi1>, vector<16xi32>
        %broadcast_in_dim3A_481 = arith.constant true
        %broadcast_in_dim3A_482 = vector.broadcast %broadcast_in_dim3A_481 : i1 to vector<16xi1>
        %masked_cumsum3A_483 = tpu.scan <sum>, %select_n3A_480 masked %broadcast_in_dim3A_482 : vector<16xi32>, vector<16xi1> -> vector<16xi32>
        %add3A_484 = vector.broadcast %add3A_471 : i32 to vector<16xi32>
        %add3A_485 = arith.addi %add3A_484, %masked_cumsum3A_483 : vector<16xi32>
        %sub3A_486 = arith.constant 1 : i32
        %sub3A_487 = vector.broadcast %sub3A_486 : i32 to vector<16xi32>
        %sub3A_488 = arith.subi %add3A_485, %sub3A_487 : vector<16xi32>
        %add3A_489 = arith.constant 5048 : i32
        %add3A_490 = vector.broadcast %add3A_489 : i32 to vector<16xi32>
        %add3A_491 = arith.addi %add3A_490, %iota3A : vector<16xi32>
        %select_n3A_492 = arith.select %ge3A_386, %sub3A_488, %add3A_491 : vector<16xi1>, vector<16xi32>
        tpu.vector_store_idx %arg24[%select_n3A_492], %gather3A_383 masked %ge3A_386 : memref<5064xi32, #tpu.memory_space<vmem>>[vector<16xi32>], vector<16xi32>, vector<16xi1>
        tpu.vector_store_idx %arg27[%select_n3A_492], %get3A_475 masked %ge3A_386 : memref<5064xi32, #tpu.memory_space<vmem>>[vector<16xi32>], vector<16xi32>, vector<16xi1>
        %slice3A_493 = vector.extract_strided_slice %masked_cumsum3A_483 {offsets = [15], sizes = [1], strides = [1]} : vector<16xi32> to vector<1xi32>
        %squeeze3A_494 = vector.extract %slice3A_493[0] : i32 from vector<1xi32>
        %add3A_495 = arith.addi %add3A_471, %squeeze3A_494 : i32
        scf.yield %add3A_495 : i32
      } else {
        scf.yield %scan3A_354 : i32
      }
      scf.yield %cond3A_402 : i32
    }
    %scan3A_290 = arith.constant 79 : i32
    %add3A_291 = arith.constant 0 : i32
    %add3A_292 = arith.addi %scan3A_289, %add3A_291 : i32
    %add3A_293 = vector.broadcast %add3A_292 : i32 to vector<16xi32>
    %add3A_294 = arith.addi %add3A_293, %iota3A : vector<16xi32>
    %broadcast_in_dim3A_295 = arith.constant 64 : i32
    %broadcast_in_dim3A_296 = vector.broadcast %broadcast_in_dim3A_295 : i32 to vector<16xi32>
    tpu.vector_store_idx %arg24[%add3A_294], %broadcast_in_dim3A_296 : memref<5064xi32, #tpu.memory_space<vmem>>[vector<16xi32>], vector<16xi32>,
    %broadcast_in_dim3A_297 = arith.constant 0 : i32
    %broadcast_in_dim3A_298 = vector.broadcast %broadcast_in_dim3A_297 : i32 to vector<16xi32>
    tpu.vector_store_idx %arg27[%add3A_294], %broadcast_in_dim3A_298 : memref<5064xi32, #tpu.memory_space<vmem>>[vector<16xi32>], vector<16xi32>,
    %add3A_299 = arith.constant 16 : i32
    %add3A_300 = arith.addi %scan3A_289, %add3A_299 : i32
    %add3A_301 = vector.broadcast %add3A_300 : i32 to vector<16xi32>
    %add3A_302 = arith.addi %add3A_301, %iota3A : vector<16xi32>
    %broadcast_in_dim3A_303 = arith.constant 64 : i32
    %broadcast_in_dim3A_304 = vector.broadcast %broadcast_in_dim3A_303 : i32 to vector<16xi32>
    tpu.vector_store_idx %arg24[%add3A_302], %broadcast_in_dim3A_304 : memref<5064xi32, #tpu.memory_space<vmem>>[vector<16xi32>], vector<16xi32>,
    %broadcast_in_dim3A_305 = arith.constant 0 : i32
    %broadcast_in_dim3A_306 = vector.broadcast %broadcast_in_dim3A_305 : i32 to vector<16xi32>
    tpu.vector_store_idx %arg27[%add3A_302], %broadcast_in_dim3A_306 : memref<5064xi32, #tpu.memory_space<vmem>>[vector<16xi32>], vector<16xi32>,
    %add3A_307 = arith.constant 32 : i32
    %add3A_308 = arith.addi %scan3A_289, %add3A_307 : i32
    %sub3A = arith.constant 1 : i32
    %sub3A_309 = arith.subi %add3A_308, %sub3A : i32
    %jit3A_310 = arith.constant 32 : i32
    %div3A = arith.divsi %sub3A_309, %jit3A_310 : i32
    %sign3A = arith.constant 0 : i32
    %sign3A_311 = arith.cmpi sgt, %sub3A_309, %sign3A : i32
    %sign3A_312 = arith.extui %sign3A_311 : i1 to i32
    %sign3A_313 = arith.constant 0 : i32
    %sign3A_314 = arith.cmpi slt, %sub3A_309, %sign3A_313 : i32
    %sign3A_315 = arith.extui %sign3A_314 : i1 to i32
    %sign3A_316 = arith.subi %sign3A_312, %sign3A_315 : i32
    %sign3A_317 = arith.constant 0 : i32
    %sign3A_318 = arith.cmpi sgt, %jit3A_310, %sign3A_317 : i32
    %sign3A_319 = arith.extui %sign3A_318 : i1 to i32
    %sign3A_320 = arith.constant 0 : i32
    %sign3A_321 = arith.cmpi slt, %jit3A_310, %sign3A_320 : i32
    %sign3A_322 = arith.extui %sign3A_321 : i1 to i32
    %sign3A_323 = arith.subi %sign3A_319, %sign3A_322 : i32
    %ne3A = arith.cmpi ne, %sign3A_316, %sign3A_323 : i32
    %rem3A = arith.remsi %sub3A_309, %jit3A_310 : i32
    %ne3A_324 = arith.constant 0 : i32
    %ne3A_325 = arith.cmpi ne, %rem3A, %ne3A_324 : i32
    %and3A_326 = arith.andi %ne3A, %ne3A_325 : i1
    %sub3A_327 = arith.constant 1 : i32
    %sub3A_328 = arith.subi %div3A, %sub3A_327 : i32
    %select_n3A_329 = arith.select %and3A_326, %sub3A_328, %div3A : i32
    %while3A = arith.constant 0 : i32
    %while3A_330 = arith.constant 0 : i32
    %while3A_331 = arith.subi %select_n3A_329, %while3A : i32
    %while3A_332 = arith.addi %while3A, %while3A_331 : i32
    %while3A_333 = arith.constant 1 : i32
    %while3A_334 = arith.divsi %while3A_331, %while3A_333 : i32
    %while3A_335 = arith.muli %while3A_334, %while3A_333 : i32
    %while3A_336 = arith.addi %while3A, %while3A_335 : i32
    %while3A_337 = arith.constant 1 : i32
    %while3A_338 = scf.for %while3A_353 = %while3A to %while3A_336 step %while3A_337 iter_args(%while3A_354 = %while3A_330) -> (i32)  : i32 {
      %mul3A_355 = arith.constant 32 : i32
      %mul3A_356 = arith.muli %while3A_353, %mul3A_355 : i32
      %add3A_357 = arith.constant 0 : i32
      %add3A_358 = arith.addi %mul3A_356, %add3A_357 : i32
      %get3A_359 = arith.index_cast %add3A_358 : i32 to index
      %get3A_360 = tpu.vector_load %arg27[%get3A_359] {strides = array<i32>} : memref<5064xi32, #tpu.memory_space<vmem>>, vector<16xi32>,
      %swap3A_361 = arith.constant 0 : index
      %swap3A_362 = tpu.vector_load %arg25[%swap3A_361] {strides = array<i32>} : memref<32xi32, #tpu.memory_space<vmem>>, vector<16xi32>,
      tpu.vector_store %arg25[%swap3A_361], %get3A_360 {strides = array<i32>} : memref<32xi32, #tpu.memory_space<vmem>>, vector<16xi32>,
      %add3A_363 = arith.constant 16 : i32
      %add3A_364 = arith.addi %mul3A_356, %add3A_363 : i32
      %get3A_365 = arith.index_cast %add3A_364 : i32 to index
      %get3A_366 = tpu.vector_load %arg27[%get3A_365] {strides = array<i32>} : memref<5064xi32, #tpu.memory_space<vmem>>, vector<16xi32>,
      %swap3A_367 = arith.constant 16 : index
      %swap3A_368 = tpu.vector_load %arg25[%swap3A_367] {strides = array<i32>} : memref<32xi32, #tpu.memory_space<vmem>>, vector<16xi32>,
      tpu.vector_store %arg25[%swap3A_367], %get3A_366 {strides = array<i32>} : memref<32xi32, #tpu.memory_space<vmem>>, vector<16xi32>,
      %dma_start3A_369 = arith.constant 0 : i32
      %dma_start3A_370 = arith.constant 0 : i32
      %dma_start3A_371 = tpu.memref_slice %arg2[%dma_start3A_369, %dma_start3A_370] : memref<10000x256xf32, #tpu.memory_space<hbm>> -> memref<10000x256xf32, #tpu.memory_space<hbm>>
      tpu.enqueue_indirect_dma source(%dma_start3A_371 : memref<10000x256xf32, #tpu.memory_space<hbm>>) target(%arg18 : memref<32x256xf32, #tpu.memory_space<vmem>>) offsets(%arg25 : memref<32xi32, #tpu.memory_space<vmem>>) semaphore(%arg19 : memref<!tpu.dma_semaphore, #tpu.memory_space<semaphore_mem>>)
      %dma_wait3A_372 = arith.constant 0 : i32
      %dma_wait3A_373 = arith.constant 0 : i32
      %dma_wait3A_374 = tpu.memref_slice %arg2[%dma_wait3A_372, %dma_wait3A_373] : memref<10000x256xf32, #tpu.memory_space<hbm>> -> memref<10000x256xf32, #tpu.memory_space<hbm>>
      tpu.wait_indirect_dma semaphore(%arg19 : memref<!tpu.dma_semaphore, #tpu.memory_space<semaphore_mem>>) src(%dma_wait3A_374 : memref<10000x256xf32, #tpu.memory_space<hbm>>) dst(%arg18 : memref<32x256xf32, #tpu.memory_space<vmem>>)
      %add3A_375 = arith.constant 0 : i32
      %add3A_376 = arith.addi %mul3A_356, %add3A_375 : i32
      %get3A_377 = arith.index_cast %add3A_376 : i32 to index
      %get3A_378 = tpu.vector_load %arg24[%get3A_377] {strides = array<i32>} : memref<5064xi32, #tpu.memory_space<vmem>>, vector<16xi32>,
      %add3A_379 = arith.constant 0 : i32
      %add3A_380 = vector.broadcast %add3A_379 : i32 to vector<16xi32>
      %add3A_381 = arith.addi %iota3A, %add3A_380 : vector<16xi32>
      %mul3A_382 = arith.constant 256 : i32
      %mul3A_383 = vector.broadcast %mul3A_382 : i32 to vector<16xi32>
      %mul3A_384 = arith.muli %get3A_378, %mul3A_383 : vector<16xi32>
      %scan3A_385 = arith.constant 0 : i32
      %scan3A_386 = arith.constant 0 : i32
      %scan3A_387 = arith.constant 256 : i32
      %scan3A_388 = arith.addi %scan3A_386, %scan3A_387 : i32
      %scan3A_389 = arith.constant 1 : i32
      %scan3A_390 = scf.for %scan3A_420 = %scan3A_386 to %scan3A_388 step %scan3A_389 iter_args(%scan3A_421 = %scan3A_385) -> (i32)  : i32 {
        %broadcast_in_dim3A_422 = vector.broadcast %scan3A_420 : i32 to vector<16xi32>
        %gather3A = tpu.vector_load_idx %arg18[%add3A_381, %broadcast_in_dim3A_422] : memref<32x256xf32, #tpu.memory_space<vmem>>[vector<16xi32>, vector<16xi32>], vector<16xf32>,
        %add3A_423 = vector.broadcast %scan3A_420 : i32 to vector<16xi32>
        %add3A_424 = arith.addi %mul3A_384, %add3A_423 : vector<16xi32>
        tpu.vector_store_idx %arg12[%add3A_424], %gather3A {add = true} : memref<20480xf32, #tpu.memory_space<vmem>>[vector<16xi32>], vector<16xf32>,
        %scan3A_425 = arith.constant 0 : i32
        scf.yield %scan3A_425 : i32
      }
      %scan3A_391 = arith.constant 256 : i32
      %mul3A_392 = arith.constant 16 : i32
      %mul3A_393 = vector.broadcast %mul3A_392 : i32 to vector<16xi32>
      %mul3A_394 = arith.muli %get3A_378, %mul3A_393 : vector<16xi32>
      %broadcast_in_dim3A_395 = arith.constant 1.000000e+00 : f32
      %broadcast_in_dim3A_396 = vector.broadcast %broadcast_in_dim3A_395 : f32 to vector<16xf32>
      tpu.vector_store_idx %arg13[%mul3A_394], %broadcast_in_dim3A_396 {add = true} : memref<1280xf32, #tpu.memory_space<vmem>>[vector<16xi32>], vector<16xf32>,
      %add3A_397 = arith.constant 16 : i32
      %add3A_398 = arith.addi %mul3A_356, %add3A_397 : i32
      %get3A_399 = arith.index_cast %add3A_398 : i32 to index
      %get3A_400 = tpu.vector_load %arg24[%get3A_399] {strides = array<i32>} : memref<5064xi32, #tpu.memory_space<vmem>>, vector<16xi32>,
      %add3A_401 = arith.constant 16 : i32
      %add3A_402 = vector.broadcast %add3A_401 : i32 to vector<16xi32>
      %add3A_403 = arith.addi %iota3A, %add3A_402 : vector<16xi32>
      %mul3A_404 = arith.constant 256 : i32
      %mul3A_405 = vector.broadcast %mul3A_404 : i32 to vector<16xi32>
      %mul3A_406 = arith.muli %get3A_400, %mul3A_405 : vector<16xi32>
      %scan3A_407 = arith.constant 0 : i32
      %scan3A_408 = arith.constant 0 : i32
      %scan3A_409 = arith.constant 256 : i32
      %scan3A_410 = arith.addi %scan3A_408, %scan3A_409 : i32
      %scan3A_411 = arith.constant 1 : i32
      %scan3A_412 = scf.for %scan3A_420 = %scan3A_408 to %scan3A_410 step %scan3A_411 iter_args(%scan3A_421 = %scan3A_407) -> (i32)  : i32 {
        %broadcast_in_dim3A_422 = vector.broadcast %scan3A_420 : i32 to vector<16xi32>
        %gather3A = tpu.vector_load_idx %arg18[%add3A_403, %broadcast_in_dim3A_422] : memref<32x256xf32, #tpu.memory_space<vmem>>[vector<16xi32>, vector<16xi32>], vector<16xf32>,
        %add3A_423 = vector.broadcast %scan3A_420 : i32 to vector<16xi32>
        %add3A_424 = arith.addi %mul3A_406, %add3A_423 : vector<16xi32>
        tpu.vector_store_idx %arg12[%add3A_424], %gather3A {add = true} : memref<20480xf32, #tpu.memory_space<vmem>>[vector<16xi32>], vector<16xf32>,
        %scan3A_425 = arith.constant 0 : i32
        scf.yield %scan3A_425 : i32
      }
      %scan3A_413 = arith.constant 256 : i32
      %mul3A_414 = arith.constant 16 : i32
      %mul3A_415 = vector.broadcast %mul3A_414 : i32 to vector<16xi32>
      %mul3A_416 = arith.muli %get3A_400, %mul3A_415 : vector<16xi32>
      %broadcast_in_dim3A_417 = arith.constant 1.000000e+00 : f32
      %broadcast_in_dim3A_418 = vector.broadcast %broadcast_in_dim3A_417 : f32 to vector<16xf32>
      tpu.vector_store_idx %arg13[%mul3A_416], %broadcast_in_dim3A_418 {add = true} : memref<1280xf32, #tpu.memory_space<vmem>>[vector<16xi32>], vector<16xf32>,
      %while3A_419 = arith.constant 0 : i32
      scf.yield %while3A_419 : i32
    }
    %while3A_339 = arith.constant 1 : i32
    %while3A_340 = scf.for %while3A_353 = %while3A_336 to %while3A_332 step %while3A_339 iter_args(%while3A_354 = %while3A_338) -> (i32)  : i32 {
      %mul3A_355 = arith.constant 32 : i32
      %mul3A_356 = arith.muli %while3A_353, %mul3A_355 : i32
      %add3A_357 = arith.constant 0 : i32
      %add3A_358 = arith.addi %mul3A_356, %add3A_357 : i32
      %get3A_359 = arith.index_cast %add3A_358 : i32 to index
      %get3A_360 = tpu.vector_load %arg27[%get3A_359] {strides = array<i32>} : memref<5064xi32, #tpu.memory_space<vmem>>, vector<16xi32>,
      %swap3A_361 = arith.constant 0 : index
      %swap3A_362 = tpu.vector_load %arg25[%swap3A_361] {strides = array<i32>} : memref<32xi32, #tpu.memory_space<vmem>>, vector<16xi32>,
      tpu.vector_store %arg25[%swap3A_361], %get3A_360 {strides = array<i32>} : memref<32xi32, #tpu.memory_space<vmem>>, vector<16xi32>,
      %add3A_363 = arith.constant 16 : i32
      %add3A_364 = arith.addi %mul3A_356, %add3A_363 : i32
      %get3A_365 = arith.index_cast %add3A_364 : i32 to index
      %get3A_366 = tpu.vector_load %arg27[%get3A_365] {strides = array<i32>} : memref<5064xi32, #tpu.memory_space<vmem>>, vector<16xi32>,
      %swap3A_367 = arith.constant 16 : index
      %swap3A_368 = tpu.vector_load %arg25[%swap3A_367] {strides = array<i32>} : memref<32xi32, #tpu.memory_space<vmem>>, vector<16xi32>,
      tpu.vector_store %arg25[%swap3A_367], %get3A_366 {strides = array<i32>} : memref<32xi32, #tpu.memory_space<vmem>>, vector<16xi32>,
      %dma_start3A_369 = arith.constant 0 : i32
      %dma_start3A_370 = arith.constant 0 : i32
      %dma_start3A_371 = tpu.memref_slice %arg2[%dma_start3A_369, %dma_start3A_370] : memref<10000x256xf32, #tpu.memory_space<hbm>> -> memref<10000x256xf32, #tpu.memory_space<hbm>>
      tpu.enqueue_indirect_dma source(%dma_start3A_371 : memref<10000x256xf32, #tpu.memory_space<hbm>>) target(%arg18 : memref<32x256xf32, #tpu.memory_space<vmem>>) offsets(%arg25 : memref<32xi32, #tpu.memory_space<vmem>>) semaphore(%arg19 : memref<!tpu.dma_semaphore, #tpu.memory_space<semaphore_mem>>)
      %dma_wait3A_372 = arith.constant 0 : i32
      %dma_wait3A_373 = arith.constant 0 : i32
      %dma_wait3A_374 = tpu.memref_slice %arg2[%dma_wait3A_372, %dma_wait3A_373] : memref<10000x256xf32, #tpu.memory_space<hbm>> -> memref<10000x256xf32, #tpu.memory_space<hbm>>
      tpu.wait_indirect_dma semaphore(%arg19 : memref<!tpu.dma_semaphore, #tpu.memory_space<semaphore_mem>>) src(%dma_wait3A_374 : memref<10000x256xf32, #tpu.memory_space<hbm>>) dst(%arg18 : memref<32x256xf32, #tpu.memory_space<vmem>>)
      %add3A_375 = arith.constant 0 : i32
      %add3A_376 = arith.addi %mul3A_356, %add3A_375 : i32
      %get3A_377 = arith.index_cast %add3A_376 : i32 to index
      %get3A_378 = tpu.vector_load %arg24[%get3A_377] {strides = array<i32>} : memref<5064xi32, #tpu.memory_space<vmem>>, vector<16xi32>,
      %add3A_379 = arith.constant 0 : i32
      %add3A_380 = vector.broadcast %add3A_379 : i32 to vector<16xi32>
      %add3A_381 = arith.addi %iota3A, %add3A_380 : vector<16xi32>
      %mul3A_382 = arith.constant 256 : i32
      %mul3A_383 = vector.broadcast %mul3A_382 : i32 to vector<16xi32>
      %mul3A_384 = arith.muli %get3A_378, %mul3A_383 : vector<16xi32>
      %scan3A_385 = arith.constant 0 : i32
      %scan3A_386 = arith.constant 0 : i32
      %scan3A_387 = arith.constant 256 : i32
      %scan3A_388 = arith.addi %scan3A_386, %scan3A_387 : i32
      %scan3A_389 = arith.constant 1 : i32
      %scan3A_390 = scf.for %scan3A_420 = %scan3A_386 to %scan3A_388 step %scan3A_389 iter_args(%scan3A_421 = %scan3A_385) -> (i32)  : i32 {
        %broadcast_in_dim3A_422 = vector.broadcast %scan3A_420 : i32 to vector<16xi32>
        %gather3A = tpu.vector_load_idx %arg18[%add3A_381, %broadcast_in_dim3A_422] : memref<32x256xf32, #tpu.memory_space<vmem>>[vector<16xi32>, vector<16xi32>], vector<16xf32>,
        %add3A_423 = vector.broadcast %scan3A_420 : i32 to vector<16xi32>
        %add3A_424 = arith.addi %mul3A_384, %add3A_423 : vector<16xi32>
        tpu.vector_store_idx %arg12[%add3A_424], %gather3A {add = true} : memref<20480xf32, #tpu.memory_space<vmem>>[vector<16xi32>], vector<16xf32>,
        %scan3A_425 = arith.constant 0 : i32
        scf.yield %scan3A_425 : i32
      }
      %scan3A_391 = arith.constant 256 : i32
      %mul3A_392 = arith.constant 16 : i32
      %mul3A_393 = vector.broadcast %mul3A_392 : i32 to vector<16xi32>
      %mul3A_394 = arith.muli %get3A_378, %mul3A_393 : vector<16xi32>
      %broadcast_in_dim3A_395 = arith.constant 1.000000e+00 : f32
      %broadcast_in_dim3A_396 = vector.broadcast %broadcast_in_dim3A_395 : f32 to vector<16xf32>
      tpu.vector_store_idx %arg13[%mul3A_394], %broadcast_in_dim3A_396 {add = true} : memref<1280xf32, #tpu.memory_space<vmem>>[vector<16xi32>], vector<16xf32>,
      %add3A_397 = arith.constant 16 : i32
      %add3A_398 = arith.addi %mul3A_356, %add3A_397 : i32
      %get3A_399 = arith.index_cast %add3A_398 : i32 to index
      %get3A_400 = tpu.vector_load %arg24[%get3A_399] {strides = array<i32>} : memref<5064xi32, #tpu.memory_space<vmem>>, vector<16xi32>,
      %add3A_401 = arith.constant 16 : i32
      %add3A_402 = vector.broadcast %add3A_401 : i32 to vector<16xi32>
      %add3A_403 = arith.addi %iota3A, %add3A_402 : vector<16xi32>
      %mul3A_404 = arith.constant 256 : i32
      %mul3A_405 = vector.broadcast %mul3A_404 : i32 to vector<16xi32>
      %mul3A_406 = arith.muli %get3A_400, %mul3A_405 : vector<16xi32>
      %scan3A_407 = arith.constant 0 : i32
      %scan3A_408 = arith.constant 0 : i32
      %scan3A_409 = arith.constant 256 : i32
      %scan3A_410 = arith.addi %scan3A_408, %scan3A_409 : i32
      %scan3A_411 = arith.constant 1 : i32
      %scan3A_412 = scf.for %scan3A_420 = %scan3A_408 to %scan3A_410 step %scan3A_411 iter_args(%scan3A_421 = %scan3A_407) -> (i32)  : i32 {
        %broadcast_in_dim3A_422 = vector.broadcast %scan3A_420 : i32 to vector<16xi32>
        %gather3A = tpu.vector_load_idx %arg18[%add3A_403, %broadcast_in_dim3A_422] : memref<32x256xf32, #tpu.memory_space<vmem>>[vector<16xi32>, vector<16xi32>], vector<16xf32>,
        %add3A_423 = vector.broadcast %scan3A_420 : i32 to vector<16xi32>
        %add3A_424 = arith.addi %mul3A_406, %add3A_423 : vector<16xi32>
        tpu.vector_store_idx %arg12[%add3A_424], %gather3A {add = true} : memref<20480xf32, #tpu.memory_space<vmem>>[vector<16xi32>], vector<16xf32>,
        %scan3A_425 = arith.constant 0 : i32
        scf.yield %scan3A_425 : i32
      }
      %scan3A_413 = arith.constant 256 : i32
      %mul3A_414 = arith.constant 16 : i32
      %mul3A_415 = vector.broadcast %mul3A_414 : i32 to vector<16xi32>
      %mul3A_416 = arith.muli %get3A_400, %mul3A_415 : vector<16xi32>
      %broadcast_in_dim3A_417 = arith.constant 1.000000e+00 : f32
      %broadcast_in_dim3A_418 = vector.broadcast %broadcast_in_dim3A_417 : f32 to vector<16xf32>
      tpu.vector_store_idx %arg13[%mul3A_416], %broadcast_in_dim3A_418 {add = true} : memref<1280xf32, #tpu.memory_space<vmem>>[vector<16xi32>], vector<16xf32>,
      %while3A_419 = arith.constant 0 : i32
      scf.yield %while3A_419 : i32
    }
    %mul3A_341 = arith.constant 20480 : i32
    %mul3A_342 = arith.muli %add3A, %mul3A_341 : i32
    "tpu.region"() ({
      %run_scoped3A = tpu.sem_alloc : memref<!tpu.dma_semaphore, #tpu.memory_space<semaphore_mem>>
      %dma_start3A_353 = tpu.memref_slice %arg8[%mul3A_342] : memref<655360xf32, #tpu.memory_space<hbm>> -> memref<20480xf32, #tpu.memory_space<hbm>>
      %dma_start3A_354 = tpu.memref_slice %arg8[%mul3A_342] : memref<655360xf32, #tpu.memory_space<hbm>> -> memref<20480xf32, #tpu.memory_space<hbm>>
      tpu.enqueue_dma source(%arg12 : memref<20480xf32, #tpu.memory_space<vmem>>) target(%dma_start3A_354 : memref<20480xf32, #tpu.memory_space<hbm>>) target_semaphore(%run_scoped3A : memref<!tpu.dma_semaphore, #tpu.memory_space<semaphore_mem>>)
      %dma_wait3A_355 = tpu.memref_slice %arg8[%mul3A_342] : memref<655360xf32, #tpu.memory_space<hbm>> -> memref<20480xf32, #tpu.memory_space<hbm>>
      %dma_wait3A_356 = tpu.memref_slice %arg8[%mul3A_342] : memref<655360xf32, #tpu.memory_space<hbm>> -> memref<20480xf32, #tpu.memory_space<hbm>>
      tpu.wait_dma2 semaphore(%run_scoped3A : memref<!tpu.dma_semaphore, #tpu.memory_space<semaphore_mem>>) src(%arg12 : memref<20480xf32, #tpu.memory_space<vmem>>) dst(%dma_wait3A_356 : memref<20480xf32, #tpu.memory_space<hbm>>)
      tpu.yield
    }) : () -> ()
    %mul3A_343 = arith.constant 1280 : i32
    %mul3A_344 = arith.muli %add3A, %mul3A_343 : i32
    "tpu.region"() ({
      %run_scoped3A = tpu.sem_alloc : memref<!tpu.dma_semaphore, #tpu.memory_space<semaphore_mem>>
      %dma_start3A_353 = tpu.memref_slice %arg9[%mul3A_344] : memref<40960xf32, #tpu.memory_space<hbm>> -> memref<1280xf32, #tpu.memory_space<hbm>>
      %dma_start3A_354 = tpu.memref_slice %arg9[%mul3A_344] : memref<40960xf32, #tpu.memory_space<hbm>> -> memref<1280xf32, #tpu.memory_space<hbm>>
      tpu.enqueue_dma source(%arg13 : memref<1280xf32, #tpu.memory_space<vmem>>) target(%dma_start3A_354 : memref<1280xf32, #tpu.memory_space<hbm>>) target_semaphore(%run_scoped3A : memref<!tpu.dma_semaphore, #tpu.memory_space<semaphore_mem>>)
      %dma_wait3A_355 = tpu.memref_slice %arg9[%mul3A_344] : memref<40960xf32, #tpu.memory_space<hbm>> -> memref<1280xf32, #tpu.memory_space<hbm>>
      %dma_wait3A_356 = tpu.memref_slice %arg9[%mul3A_344] : memref<40960xf32, #tpu.memory_space<hbm>> -> memref<1280xf32, #tpu.memory_space<hbm>>
      tpu.wait_dma2 semaphore(%run_scoped3A : memref<!tpu.dma_semaphore, #tpu.memory_space<semaphore_mem>>) src(%arg13 : memref<1280xf32, #tpu.memory_space<vmem>>) dst(%dma_wait3A_356 : memref<1280xf32, #tpu.memory_space<hbm>>)
      tpu.yield
    }) : () -> ()
    %eq3A_345 = arith.constant 0 : i32
    %eq3A_346 = arith.cmpi eq, %arg0, %eq3A_345 : i32
    %eq3A_347 = arith.constant 2 : i32
    %eq3A_348 = arith.cmpi eq, %arg1, %eq3A_347 : i32
    %and3A_349 = arith.andi %eq3A_346, %eq3A_348 : i1
    %convert_element_type3A_350 = arith.extui %and3A_349 : i1 to i32
    %cond3A_351 = arith.constant 0 : i32
    %cond3A_352 = arith.cmpi ne, %convert_element_type3A_350, %cond3A_351 : i32
    scf.if %cond3A_352 {
      "tpu.region"() ({
        %run_scoped3A = tpu.sem_alloc : memref<!tpu.dma_semaphore, #tpu.memory_space<semaphore_mem>>
        %dma_start3A_400 = arith.constant 0 : i32
        %dma_start3A_401 = tpu.memref_slice %arg7[%dma_start3A_400] : memref<20480xf32, #tpu.memory_space<hbm>> -> memref<5120xf32, #tpu.memory_space<hbm>>
        %dma_start3A_402 = arith.constant 0 : i32
        %dma_start3A_403 = tpu.memref_slice %arg7[%dma_start3A_402] : memref<20480xf32, #tpu.memory_space<hbm>> -> memref<5120xf32, #tpu.memory_space<hbm>>
        tpu.enqueue_dma source(%dma_start3A_403 : memref<5120xf32, #tpu.memory_space<hbm>>) target(%arg17 : memref<5120xf32, #tpu.memory_space<vmem>>) target_semaphore(%run_scoped3A : memref<!tpu.dma_semaphore, #tpu.memory_space<semaphore_mem>>)
        %dma_wait3A_404 = arith.constant 0 : i32
        %dma_wait3A_405 = tpu.memref_slice %arg7[%dma_wait3A_404] : memref<20480xf32, #tpu.memory_space<hbm>> -> memref<5120xf32, #tpu.memory_space<hbm>>
        %dma_wait3A_406 = arith.constant 0 : i32
        %dma_wait3A_407 = tpu.memref_slice %arg7[%dma_wait3A_406] : memref<20480xf32, #tpu.memory_space<hbm>> -> memref<5120xf32, #tpu.memory_space<hbm>>
        tpu.wait_dma2 semaphore(%run_scoped3A : memref<!tpu.dma_semaphore, #tpu.memory_space<semaphore_mem>>) src(%dma_wait3A_407 : memref<5120xf32, #tpu.memory_space<hbm>>) dst(%arg17 : memref<5120xf32, #tpu.memory_space<vmem>>)
        tpu.yield
      }) : () -> ()
      %get3A_353 = arith.constant 0 : index
      %get3A_354 = tpu.vector_load %arg15[%get3A_353] {strides = array<i32>} : memref<64xi32, #tpu.memory_space<vmem>>, vector<16xi32>,
      %gather3A = tpu.vector_load_idx %arg16[%get3A_354] : memref<10016xi32, #tpu.memory_space<vmem>>[vector<16xi32>], vector<16xi32>,
      %add3A_355 = arith.constant 0 : i32
      %add3A_356 = vector.broadcast %add3A_355 : i32 to vector<16xi32>
      %add3A_357 = arith.addi %iota3A, %add3A_356 : vector<16xi32>
      %mul3A_358 = arith.constant 80 : i32
      %mul3A_359 = vector.broadcast %mul3A_358 : i32 to vector<16xi32>
      %mul3A_360 = arith.muli %add3A_357, %mul3A_359 : vector<16xi32>
      %add3A_361 = arith.addi %mul3A_360, %gather3A : vector<16xi32>
      %broadcast_in_dim3A_362 = arith.constant 1.000000e+00 : f32
      %broadcast_in_dim3A_363 = vector.broadcast %broadcast_in_dim3A_362 : f32 to vector<16xf32>
      tpu.vector_store_idx %arg17[%add3A_361], %broadcast_in_dim3A_363 : memref<5120xf32, #tpu.memory_space<vmem>>[vector<16xi32>], vector<16xf32>,
      %get3A_364 = arith.constant 16 : index
      %get3A_365 = tpu.vector_load %arg15[%get3A_364] {strides = array<i32>} : memref<64xi32, #tpu.memory_space<vmem>>, vector<16xi32>,
      %gather3A_366 = tpu.vector_load_idx %arg16[%get3A_365] : memref<10016xi32, #tpu.memory_space<vmem>>[vector<16xi32>], vector<16xi32>,
      %add3A_367 = arith.constant 16 : i32
      %add3A_368 = vector.broadcast %add3A_367 : i32 to vector<16xi32>
      %add3A_369 = arith.addi %iota3A, %add3A_368 : vector<16xi32>
      %mul3A_370 = arith.constant 80 : i32
      %mul3A_371 = vector.broadcast %mul3A_370 : i32 to vector<16xi32>
      %mul3A_372 = arith.muli %add3A_369, %mul3A_371 : vector<16xi32>
      %add3A_373 = arith.addi %mul3A_372, %gather3A_366 : vector<16xi32>
      %broadcast_in_dim3A_374 = arith.constant 1.000000e+00 : f32
      %broadcast_in_dim3A_375 = vector.broadcast %broadcast_in_dim3A_374 : f32 to vector<16xf32>
      tpu.vector_store_idx %arg17[%add3A_373], %broadcast_in_dim3A_375 : memref<5120xf32, #tpu.memory_space<vmem>>[vector<16xi32>], vector<16xf32>,
      %get3A_376 = arith.constant 32 : index
      %get3A_377 = tpu.vector_load %arg15[%get3A_376] {strides = array<i32>} : memref<64xi32, #tpu.memory_space<vmem>>, vector<16xi32>,
      %gather3A_378 = tpu.vector_load_idx %arg16[%get3A_377] : memref<10016xi32, #tpu.memory_space<vmem>>[vector<16xi32>], vector<16xi32>,
      %add3A_379 = arith.constant 32 : i32
      %add3A_380 = vector.broadcast %add3A_379 : i32 to vector<16xi32>
      %add3A_381 = arith.addi %iota3A, %add3A_380 : vector<16xi32>
      %mul3A_382 = arith.constant 80 : i32
      %mul3A_383 = vector.broadcast %mul3A_382 : i32 to vector<16xi32>
      %mul3A_384 = arith.muli %add3A_381, %mul3A_383 : vector<16xi32>
      %add3A_385 = arith.addi %mul3A_384, %gather3A_378 : vector<16xi32>
      %broadcast_in_dim3A_386 = arith.constant 1.000000e+00 : f32
      %broadcast_in_dim3A_387 = vector.broadcast %broadcast_in_dim3A_386 : f32 to vector<16xf32>
      tpu.vector_store_idx %arg17[%add3A_385], %broadcast_in_dim3A_387 : memref<5120xf32, #tpu.memory_space<vmem>>[vector<16xi32>], vector<16xf32>,
      %get3A_388 = arith.constant 48 : index
      %get3A_389 = tpu.vector_load %arg15[%get3A_388] {strides = array<i32>} : memref<64xi32, #tpu.memory_space<vmem>>, vector<16xi32>,
      %gather3A_390 = tpu.vector_load_idx %arg16[%get3A_389] : memref<10016xi32, #tpu.memory_space<vmem>>[vector<16xi32>], vector<16xi32>,
      %add3A_391 = arith.constant 48 : i32
      %add3A_392 = vector.broadcast %add3A_391 : i32 to vector<16xi32>
      %add3A_393 = arith.addi %iota3A, %add3A_392 : vector<16xi32>
      %mul3A_394 = arith.constant 80 : i32
      %mul3A_395 = vector.broadcast %mul3A_394 : i32 to vector<16xi32>
      %mul3A_396 = arith.muli %add3A_393, %mul3A_395 : vector<16xi32>
      %add3A_397 = arith.addi %mul3A_396, %gather3A_390 : vector<16xi32>
      %broadcast_in_dim3A_398 = arith.constant 1.000000e+00 : f32
      %broadcast_in_dim3A_399 = vector.broadcast %broadcast_in_dim3A_398 : f32 to vector<16xf32>
      tpu.vector_store_idx %arg17[%add3A_397], %broadcast_in_dim3A_399 : memref<5120xf32, #tpu.memory_space<vmem>>[vector<16xi32>], vector<16xf32>,
      "tpu.region"() ({
        %run_scoped3A = tpu.sem_alloc : memref<!tpu.dma_semaphore, #tpu.memory_space<semaphore_mem>>
        tpu.enqueue_dma source(%arg17 : memref<5120xf32, #tpu.memory_space<vmem>>) target(%arg10 : memref<5120xf32, #tpu.memory_space<hbm>>) target_semaphore(%run_scoped3A : memref<!tpu.dma_semaphore, #tpu.memory_space<semaphore_mem>>)
        tpu.wait_dma2 semaphore(%run_scoped3A : memref<!tpu.dma_semaphore, #tpu.memory_space<semaphore_mem>>) src(%arg17 : memref<5120xf32, #tpu.memory_space<vmem>>) dst(%arg10 : memref<5120xf32, #tpu.memory_space<hbm>>)
        tpu.yield
      }) : () -> ()
    } else {
    }
    return
  }
}

module attributes {stable_mosaic.version = 14 : i64} {
  func.func @body(%arg0: memref<32x80x256xf32, #tpu.memory_space<vmem>>, %arg1: memref<32x80x16xf32, #tpu.memory_space<vmem>>, %arg2: memref<64x80xf32, #tpu.memory_space<vmem>>, %arg3: memref<64x256xf32, #tpu.memory_space<vmem>>, %arg4: memref<256x256xf32, #tpu.memory_space<vmem>>, %arg5: memref<256x256xf32, #tpu.memory_space<vmem>>, %arg6: memref<1x256xf32, #tpu.memory_space<vmem>>, %arg7: memref<1x1xf32, #tpu.memory_space<vmem>>, %arg8: memref<64x256xf32, #tpu.memory_space<vmem>>) attributes {dimension_semantics = [], scalar_prefetch = 0 : i64, scratch_operands = 0 : i64, tpu.core_type = #tpu.core_type<tc>} {
    %get3A = arith.constant 0 : index
    %get3A_0 = arith.constant 0 : index
    %get3A_1 = arith.constant 0 : index
    %get3A_2 = vector.load %arg0[%get3A, %get3A_0, %get3A_1] : memref<32x80x256xf32, #tpu.memory_space<vmem>>, vector<32x80x256xf32>
    %reduce_sum3A = arith.constant dense<0.000000e+00> : vector<80x256xf32>
    %reduce_sum3A_3 = vector.multi_reduction <add>, %get3A_2, %reduce_sum3A [0] : vector<32x80x256xf32> to vector<80x256xf32>
    %get3A_4 = arith.constant 0 : index
    %get3A_5 = arith.constant 0 : index
    %get3A_6 = arith.constant 0 : index
    %get3A_7 = vector.load %arg1[%get3A_4, %get3A_5, %get3A_6] : memref<32x80x16xf32, #tpu.memory_space<vmem>>, vector<32x80x16xf32>
    %reduce_sum3A_8 = arith.constant dense<0.000000e+00> : vector<80x16xf32>
    %reduce_sum3A_9 = vector.multi_reduction <add>, %get3A_7, %reduce_sum3A_8 [0] : vector<32x80x16xf32> to vector<80x16xf32>
    %get3A_10 = arith.constant 0 : index
    %get3A_11 = arith.constant 0 : index
    %get3A_12 = vector.load %arg2[%get3A_10, %get3A_11] : memref<64x80xf32, #tpu.memory_space<vmem>>, vector<64x80xf32>
    %dot_general3A = arith.constant dense<0.000000e+00> : vector<64x256xf32>
    %dot_general3A_13 = tpu.matmul %get3A_12, %reduce_sum3A_3, %dot_general3A {dimension_numbers = #tpu.dot_dimension_numbers<[1], [0], [0], [1], [0, 0, 1, 1], [], []>, transpose_lhs_hint = false} : vector<64x80xf32>, vector<80x256xf32>, vector<64x256xf32> -> vector<64x256xf32>
    %dot_general3A_14 = arith.constant dense<0.000000e+00> : vector<64x16xf32>
    %dot_general3A_15 = tpu.matmul %get3A_12, %reduce_sum3A_9, %dot_general3A_14 {dimension_numbers = #tpu.dot_dimension_numbers<[1], [0], [0], [1], [0, 0, 1, 1], [], []>, transpose_lhs_hint = false} : vector<64x80xf32>, vector<80x16xf32>, vector<64x16xf32> -> vector<64x16xf32>
    %slice3A = vector.extract_strided_slice %dot_general3A_15 {offsets = [0, 0], sizes = [64, 1], strides = [1, 1]} : vector<64x16xf32> to vector<64x1xf32>
    %max3A = arith.constant 1.000000e+00 : f32
    %max3A_16 = vector.broadcast %max3A : f32 to vector<64x1xf32>
    %max3A_17 = arith.maximumf %slice3A, %max3A_16 : vector<64x1xf32>
    %div3A = vector.broadcast %max3A_17 : vector<64x1xf32> to vector<64x256xf32>
    %div3A_18 = arith.divf %dot_general3A_13, %div3A : vector<64x256xf32>
    %get3A_19 = arith.constant 0 : index
    %get3A_20 = arith.constant 0 : index
    %get3A_21 = vector.load %arg4[%get3A_19, %get3A_20] : memref<256x256xf32, #tpu.memory_space<vmem>>, vector<256x256xf32>
    %dot_general3A_22 = arith.constant dense<0.000000e+00> : vector<64x256xf32>
    %dot_general3A_23 = tpu.matmul %div3A_18, %get3A_21, %dot_general3A_22 {dimension_numbers = #tpu.dot_dimension_numbers<[1], [0], [0], [1], [0, 0, 1, 1], [], []>, transpose_lhs_hint = false} : vector<64x256xf32>, vector<256x256xf32>, vector<64x256xf32> -> vector<64x256xf32>
    %get3A_24 = arith.constant 0 : index
    %get3A_25 = arith.constant 0 : index
    %get3A_26 = vector.load %arg3[%get3A_24, %get3A_25] : memref<64x256xf32, #tpu.memory_space<vmem>>, vector<64x256xf32>
    %get3A_27 = arith.constant 0 : index
    %get3A_28 = arith.constant 0 : index
    %get3A_29 = vector.load %arg5[%get3A_27, %get3A_28] : memref<256x256xf32, #tpu.memory_space<vmem>>, vector<256x256xf32>
    %dot_general3A_30 = arith.constant dense<0.000000e+00> : vector<64x256xf32>
    %dot_general3A_31 = tpu.matmul %get3A_26, %get3A_29, %dot_general3A_30 {dimension_numbers = #tpu.dot_dimension_numbers<[1], [0], [0], [1], [0, 0, 1, 1], [], []>, transpose_lhs_hint = false} : vector<64x256xf32>, vector<256x256xf32>, vector<64x256xf32> -> vector<64x256xf32>
    %add3A = arith.addf %dot_general3A_23, %dot_general3A_31 : vector<64x256xf32>
    %get3A_32 = arith.constant 0 : index
    %get3A_33 = arith.constant 0 : index
    %get3A_34 = vector.load %arg6[%get3A_32, %get3A_33] : memref<1x256xf32, #tpu.memory_space<vmem>>, vector<1x256xf32>
    %add3A_35 = vector.broadcast %get3A_34 : vector<1x256xf32> to vector<64x256xf32>
    %add3A_36 = arith.addf %add3A, %add3A_35 : vector<64x256xf32>
    %get3A_37 = arith.constant 0 : index
    %get3A_38 = arith.constant 0 : index
    %get3A_39 = vector.load %arg7[%get3A_37, %get3A_38] : memref<1x1xf32, #tpu.memory_space<vmem>>, vector<1x1xf32>
    %get3A_40 = vector.extract %get3A_39[0, 0] : f32 from vector<1x1xf32>
    %gt3A = arith.constant 0.000000e+00 : f32
    %gt3A_41 = vector.broadcast %gt3A : f32 to vector<64x256xf32>
    %gt3A_42 = arith.cmpf ogt, %add3A_36, %gt3A_41 : vector<64x256xf32>
    %mul3A = vector.broadcast %get3A_40 : f32 to vector<64x256xf32>
    %mul3A_43 = arith.mulf %mul3A, %add3A_36 : vector<64x256xf32>
    %select_n3A = arith.select %gt3A_42, %add3A_36, %mul3A_43 : vector<64x256xi1>, vector<64x256xf32>
    %swap3A = arith.constant 0 : index
    %swap3A_44 = arith.constant 0 : index
    %swap3A_45 = vector.load %arg8[%swap3A, %swap3A_44] : memref<64x256xf32, #tpu.memory_space<vmem>>, vector<64x256xf32>
    tpu.vector_store %arg8[%swap3A, %swap3A_44], %select_n3A {strides = array<i32>} : memref<64x256xf32, #tpu.memory_space<vmem>>, vector<64x256xf32>,
    return
  }
}

</mosaic_0001>

<sc_bundles>
// kernel: kernel.4.cloned.1.call-start
scs
__scs_entry_jumppad:
0x0: {  	(pc) =	sbr.rel $0x88, $3  }
0x1: {  	(tag) =	ssettag $0x0;
	lr =	simm.s32 $0x1  }
0x2: {  	[smem:$0x3F9A] =	sst lr;
	_ =	strace $0xD0000000  }
0x3: {  	_ = 	snop  }
0x4: {  	_ = 	snop  }
0x5: {  	_ = 	snop  }
0x6: {  	_ = 	snop  }
0x7: {  	_ = 	snop  }
__scs_overlays_trampoline_lowered:
0x8: {  	[smem:$0x3FA9] =	sst s0  }
0x9: {  	[smem:$0x3FAA] =	sst s1  }
0xa: {  	[smem:$0x3FAB] =	sst s2  }
0xb: {  	[smem:$0x3FAC] =	sst s3  }
0xc: {  	[smem:$0x3FAD] =	sst s4  }
0xd: {  	[smem:$0x3FAE] =	sst s5  }
0xe: {  	[smem:$0x3FAF] =	sst s6  }
0xf: {  	[smem:$0x3FB0] =	sst s7  }
0x10: {  	[smem:$0x3FB1] =	sst s8  }
0x11: {  	[smem:$0x3FB2] =	sst s9;
	s0 =	simm.s32 @!p0 $0x0  }
0x12: {  	s1 =	sld [smem:$0x3F98];
	s0 =	simm.s32 @p0 $0x1  }
0x13: {  	[smem:$0x3FB3] =	sst s0;
	s0 =	simm.s32 @!p1 $0x0  }
0x14: {  	s2 =	sld [smem:$0x3F97];
	s0 =	simm.s32 @p1 $0x1  }
0x15: {  	[smem:$0x3FB4] =	sst s0;
	s0 =	simm.s32 @!p2 $0x0  }
0x16: {  	s3 =	sld [smem:$0x3FDB];
	s0 =	simm.s32 @p2 $0x1  }
0x17: {  	s4 =	simm.s32 $0x1BF5;
	[smem:$0x3FB6] =	sst s0  }
0x18: {  	s0 =	sld [smem:$0x3F99];
	_ =	swait.ge [sflag:s4], $0x0  }
0x19: {  	s7 =	sld [smem:$0x3F9A]  }
0x1a: {  	s8 =	sadd.s32 $0xFFFFE003, lr  }
0x1b: {  	s9 =	sadd.s32 $0xFFFFFEF7, lr;
	s5 =	simm.s32 $0xFFFFFFFF;
	p2 =	slt.u32 s8, $0xFFFFF086  }
0x1c: {  	p1 =	slt.u32 s9, $0xF7A;
	s5 =	simm.s32 @!p2 $0x0  }
0x1d: {  	s5 =	simm.s32 @p1 $0x1;
	p0 =	seq.s32 s7, s2  }
0x1e: {  	s7 =	smul.u32 @!p0 $0xF7A, s2;
	p2 =	seq.s32 @!p0 s5, $0x0  }
0x1f: {  	s9 =	smul.u32 $0xF7A, s1;
	s8 =	simm.s32 @!p0 $0x1BF5;
	p2 =	por !p2, p0  }
0x20: {  	[sflag:s8] =	ssyncset.s32 @!p0 $0xFFFFF086;
	s6 =	sadd.s32 @!p0 s3, s7;
	s7 =	simm.s32 @!p0 $0x108  }
0x21: {  	s3 =	sadd.s32 s3, s9;
	s6 =	sadd.s32 @!p0 $0x88, s6;
	s7 =	simm.s32 @p2 $0x1082  }
0x22: {  	[simem:s7], [sflag:s8] =	dma.local @!p0 [hbm:s6], $0xF7A  }
0x23: {  	s9 =	sor.u32 $0xD0000000, s2;
	s6 =	simm.s32 $0x108;
	_ =	swait.ge @!p0 [sflag:s8], $0x0  }
0x24: {  	s3 =	sadd.s32 $0x88, s3;
	s6 =	simm.s32 @!p1 $0x1082;
	[sflag:s4] =	ssyncset.s32 $0xFFFFF086  }
0x25: {  	[simem:s6], [sflag:s4] =	dma.local [hbm:s3], $0xF7A  }
0x26: {  	[smem:$0x3F9A] =	sst s1;
	(tag) =	ssettag s2;
	_ =	strace s9  }
0x27: {  	s1 =	sld [smem:$0x3FAA]  }
0x28: {  	s2 =	sld [smem:$0x3FAB]  }
0x29: {  	s4 =	sld [smem:$0x3FAD]  }
0x2a: {  	p0 =	seq.s32 s5, $0x0;
	s5 =	sld [smem:$0x3FAE]  }
0x2b: {  	s6 =	sld [smem:$0x3FAF]  }
0x2c: {  	s7 =	sld [smem:$0x3FB0]  }
0x2d: {  	s3 =	simm.s32 $0x108;
	s8 =	sld [smem:$0x3FB1]  }
0x2e: {  	s3 =	simm.s32 @!p0 $0x1082;
	s9 =	sld [smem:$0x3FB2]  }
0x2f: {  	lr =	sadd.s32 s0, s3;
	s0 =	sld [smem:$0x3FA9]  }
0x30: {  	s3 =	sld [smem:$0x3FAC]  }
0x31: {  	[smem:$0x3FB5] =	sst s10  }
0x32: {  	s10 =	sld [smem:$0x3FB3];
	_ =	sdelay $0x3  }
0x33: {  	p0 =	seq.s32 s10, $0x1;
	s10 =	sld [smem:$0x3FB5];
	_ =	sdelay $0x3  }
0x34: {  	[smem:$0x3FB5] =	sst s10  }
0x35: {  	s10 =	sld [smem:$0x3FB4];
	_ =	sdelay $0x3  }
0x36: {  	p1 =	seq.s32 s10, $0x1;
	s10 =	sld [smem:$0x3FB5];
	_ =	sdelay $0x3  }
0x37: {  	[smem:$0x3FB5] =	sst s10  }
0x38: {  	s10 =	sld [smem:$0x3FB6]  }
0x39: {  	_ = 	snop;
	(pc) =	sbr.ind lr, $3  }
0x3a: {  	_ = 	snop  }
0x3b: {  	_ = 	snop  }
0x3c: {  	p2 =	seq.s32 s10, $0x1;
	s10 =	sld [smem:$0x3FB5]  }
0x3d: {  	_ =	shalt  }
0x3e: {  	_ =	shalt  }
0x3f: {  	_ =	shalt  }
0x40: {  	_ =	shalt  }
0x41: {  	_ =	shalt  }
0x42: {  	_ =	shalt  }
0x43: {  	_ =	shalt  }
0x44: {  	_ =	shalt  }
0x45: {  	_ =	shalt  }
0x46: {  	_ =	shalt  }
0x47: {  	_ =	shalt  }
0x48: {  	_ =	shalt  }
0x49: {  	_ =	shalt  }
0x4a: {  	_ =	shalt  }
0x4b: {  	_ =	shalt  }
0x4c: {  	_ =	shalt  }
0x4d: {  	_ =	shalt  }
0x4e: {  	_ =	shalt  }
0x4f: {  	_ =	shalt  }
0x50: {  	_ =	shalt  }
0x51: {  	_ =	shalt  }
0x52: {  	_ =	shalt  }
0x53: {  	_ =	shalt  }
0x54: {  	_ =	shalt  }
0x55: {  	_ =	shalt  }
0x56: {  	_ =	shalt  }
0x57: {  	_ =	shalt  }
0x58: {  	_ =	shalt  }
0x59: {  	_ =	shalt  }
0x5a: {  	_ =	shalt  }
0x5b: {  	_ =	shalt  }
0x5c: {  	_ =	shalt  }
0x5d: {  	_ =	shalt  }
0x5e: {  	_ =	shalt  }
0x5f: {  	_ =	shalt  }
0x60: {  	_ =	shalt  }
0x61: {  	_ =	shalt  }
0x62: {  	_ =	shalt  }
0x63: {  	_ =	shalt  }
0x64: {  	_ =	shalt  }
0x65: {  	_ =	shalt  }
0x66: {  	_ =	shalt  }
0x67: {  	_ =	shalt  }
0x68: {  	_ =	shalt  }
0x69: {  	_ =	shalt  }
0x6a: {  	_ =	shalt  }
0x6b: {  	_ =	shalt  }
0x6c: {  	_ =	shalt  }
0x6d: {  	_ =	shalt  }
0x6e: {  	_ =	shalt  }
0x6f: {  	_ =	shalt  }
0x70: {  	_ =	shalt  }
0x71: {  	_ =	shalt  }
0x72: {  	_ =	shalt  }
0x73: {  	_ =	shalt  }
0x74: {  	_ =	shalt  }
0x75: {  	_ =	shalt  }
0x76: {  	_ =	shalt  }
0x77: {  	_ =	shalt  }
0x78: {  	_ =	shalt  }
0x79: {  	_ =	shalt  }
0x7a: {  	_ =	shalt  }
0x7b: {  	_ =	shalt  }
0x7c: {  	_ =	shalt  }
0x7d: {  	_ =	shalt  }
0x7e: {  	_ =	shalt  }
0x7f: {  	_ =	shalt  }
0x80: {  	_ =	shalt  }
0x81: {  	_ =	shalt  }
0x82: {  	_ =	shalt  }
0x83: {  	_ =	shalt  }
0x84: {  	_ =	shalt  }
0x85: {  	_ =	shalt  }
0x86: {  	_ =	shalt  }
0x87: {  	_ =	shalt  }
.Lfunc_end0:
.L_simem_size_0:
called_computation_lowered:
.L_overlay_start_0:
0x88: {  	s2 =	sld [smem:$0x3FD9]  }
0x89: {  	s3 =	sld [smem:$0x3FFE];
	_ =	sdelay $0x1  }
0x8a: {  	s1 =	srdreg.scid  }
0x8b: {  	s0 =	sand.u32 $0x1, s1  }
0x8c: {  	s17 =	sshll.u32 s0, $0xA;
	s2 =	sadd.s32 s3, s2  }
0x8d: {  	s2 =	sadd.s32 s2, s17  }
0x8e: {  	[smem:$0x3FC1] =	sst s2  }
0x8f: {  	_ = 	snop  }
0x90: {  	s2 =	sld [smem:$0x3FC9]  }
0x91: {  	s18 =	sld [smem:$0x3FC7]  }
0x92: {  	s4 =	sld [smem:$0x3FD0];
	(tm) =	ssettm $0x1  }
0x93: {  	s5 =	sld [smem:$0x3FFB];
	_ =	sdelay $0x3  }
0x94: {  	_ =	strace s5  }
0x95: {  	s5 =	sld [smem:$0x3FFC];
	_ =	sdelay $0x3  }
0x96: {  	_ =	strace s5  }
0x97: {  	s5 =	sld [smem:$0x3FFD];
	_ =	sdelay $0x3  }
0x98: {  	_ =	strace s5  }
0x99: {  	_ =	strace $0x8FFFFFFF  }
0x9a: {  	s19 =	sld [smem:$0x3FDB];
	_ =	sdelay $0x1  }
0x9b: {  	s6 =	simm.s32 $_scs_section_size  }
0x9c: {  	s7 =	simm.s32 $_size__tile_overlayer_lowered;
	s8 =	simm.s32 $_tile_overlayer_lowered  }
0x9d: {  	s22 =	simm.s32 $0x1BFF;
	s21 =	sshll.u32 s8, $0x1;
	s5 =	sadd.s32 s6, s19  }
0x9e: {  	s9 =	simm.s32 $0x0;
	s20 =	sshll.u32 s7, $0x1;
	s7 =	sadd.s32 s21, s5  }
0x9f: {  	[timem:s9], [sflag:s22] =	dma.local [hbm:s7], s20  }
0xa0: {  	_ =	swait.ge [sflag:s22], s20  }
0xa1: {  	s6 =	ssub.s32 $0x0, s20;
	[sflag:s22] =	ssyncset.done $0x0  }
0xa2: {  	[sflag:s22] =	ssyncadd.s32 s6;
	_ =	sdelay $0x1  }
0xa3: {  	s23 =	simm.s32 $0x1B8B  }
0xa4: {  	_ =	swait.ge [sflag:s23], $0x1  }
0xa5: {  	[sflag:s23] =	ssyncset.done $0x0  }
0xa6: {  	s25 =	simm.s32 $0x1B8E;
	s24 =	sld [smem:$0x3FFE];
	[sflag:s23] =	ssyncadd.s32 $0xFFFFFFFF  }
0xa7: {  	s26 =	simm.s32 $execute0_lowered;
	[smem:$0x3FD2] =	sst s25  }
0xa8: {  	s7 =	sshll.u32 s26, $0x1;
	_ =	strace $0x80000046;
	[dreg:$0x1] =	wrdreg $0xFFFFFFFF  }
0xa9: {  	s28 =	simm.s32 $_size_execute0_lowered;
	s5 =	sadd.s32 s5, s7;
	[dreg:$0x0] =	wrdreg $0x0  }
0xaa: {  	s7 =	sshll.u32 s28, $0x1;
	[dreg:$0x2] =	wrdreg s5  }
0xab: {  	[dreg:$0x3] =	wrdreg s7  }
0xac: {  	[dreg:$0x4] =	wrdreg $0xC0  }
0xad: {  	_ =	task [dreg:s9], $0x5FFFF  }
0xae: {  	[dreg:$0x1] =	wrdreg $0xFFFFFFFF  }
0xaf: {  	[dreg:$0x0] =	wrdreg $0x60  }
0xb0: {  	[dreg:$0x2] =	wrdreg s2  }
0xb1: {  	[dreg:$0x3] =	wrdreg s24  }
0xb2: {  	[dreg:$0x4] =	wrdreg s18  }
0xb3: {  	[dreg:$0x5] =	wrdreg s4  }
0xb4: {  	[dreg:$0x6] =	wrdreg $0x9  }
0xb5: {  	_ =	task.clear_ibuf [dreg:s9], $0x7FFFF;
	_ =	strace $0x90000046  }
0xb6: {  	s29 =	simm.s32 $0x9;
	_ =	strace $0x80000048  }
0xb7: {  	_ =	swait.ge [sflag:s29], $0x1  }
0xb8: {  	[sflag:s29] =	ssyncadd.s32 $0xFFFFFFFF  }
0xb9: {  	_ =	strace $0x90000048  }
0xba: {  	_ =	sfence  }
0xbb: {  	s30 =	sld [smem:$0x0];
	_ =	sdelay $0x2  }
0xbc: {  	s31 =	sshll.u32 s1, $0xD;
	s1 =	sshrl.u32 s1, $0x2  }
0xbd: {  	s3 =	sand.u32 $0x4000, s31;
	s1 =	sadd.s32 s1, s30  }
0xbe: {  	s0 =	sor.u32 s3, s0;
	s1 =	sshll.u32 s1, $0x11  }
0xbf: {  	s0 =	sor.u32 s1, s0  }
0xc0: {  	s0 =	sadd.s32 $0x8F2B, s0  }
0xc1: {  	[sflag:s0] =	ssyncadd.remote.s32 $0x1  }
0xc2: {  	_ =	sfence.sel $0xFFFF  }
0xc3: {  	[dreg:$0x0] =	wrdreg $0xFFFFFFFF;
	(pc) =	sbr.abs _section_cstart, $3  }
0xc4: {  	[dreg:$0x1] =	wrdreg $0xFFFFFFFF  }
0xc5: {  	_ =	task.clear_ibuf [dreg:s9], $0x2FFFF;
	_ =	strace $0x9FFFFFFF  }
0xc6: {  	(tm) =	ssettm $0x7FFFFFFF  }
0xc7: {  	_ =	shalt  }
tec
execute0_lowered:
.L_overlay_start_1:
0x0: {  	(tag) =	ssettag $0x1  }
0x1: {  	v0 =	vlaneseq.u32;
	vm1 =	vcmask $0x704;
	vm2 =	vcmask $0xB08  }
0x2: {  	vm3 =	vcmask $0xF0C;
	vm15 =	vcmask $0x1310;
	vm4 =	vcmask $0x1714  }
0x3: {  	vm5 =	vcmask $0x1B18;
	vm6 =	vcmask $0x1F1C;
	vm7 =	vcmask $0x2320  }
0x4: {  	s0 =	rddreg [dreg:$0x0];
	vm8 =	vcmask $0x2724;
	vm9 =	vcmask $0x2B28;
	vm10 =	vcmask $0x2F2C  }
0x5: {  	s1 =	srdreg.scid;
	s2 =	rddreg [dreg:$0x1];
	vm11 =	vcmask $0x3330;
	vm12 =	vcmask $0x3734;
	v1 =	vimm.s32 $0xB80  }
0x6: {  	s11 =	stileid.u32;
	s12 =	rddreg [dreg:$0x3];
	vm0 =	vcmask $0x300;
	s5 =	simm.s32 $0x0;
	vm13 =	vcmask $0x3B38;
	v2 =	vimm.s32 $0x1B80  }
0x7: {  	vm14 =	vcmask $0x3F3C;
	v6 =	vimm.s32 $0x0;
	s17 =	simm.s32 $0x6980;
	s18 =	simm.s32 $0x5000;
	s20 =	simm.s32 $0x6;
	v1 =	vsel vm0, $0x0, v1  }
0x8: {  	s21 =	simm.s32 $0x3;
	s22 =	simm.s32 $0x1;
	s23 =	simm.s32 $0x2;
	v2 =	vsel vm0, $0x1000, v2;
	vm0 =	vmmov $0xff;
	v8 =	vshrl.u32 v0, $0x3  }
0x9: {  	s28 =	simm.s32 $0xAD00;
	s29 =	simm.s32 $0xB500;
	s30 =	simm.s32 $0xBD00;
	v3 =	vsel vm1, $0x80, v1;
	v1 =	vor.u32 $0x10, v0;
	v4 =	vsel vm1, $0x1080, v2  }
0xa: {  	s31 =	simm.s32 $0xC500;
	s1 =	sand.u32 $0x1, s1;
	[smem:$0x7FF] =	sst s5;
	v2 =	vor.u32 $0x20, v0;
	v3 =	vsel vm2, $0x100, v3;
	v4 =	vsel vm2, $0x1100, v4  }
0xb: {  	s7 =	sadd.s32 $0xB600, s2;
	s8 =	sadd.s32 $0x21000, s2;
	s26 =	sadd.s32 $0x400, s12;
	v6 =	vsel vm0, $0xFFFFFFFF, v6;
	v5 =	vsel vm3, $0x180, v3;
	v4 =	vsel vm3, $0x1180, v4  }
0xc: {  	p0 =	seq.s32 s11, $0x3;
	p2 =	seq.s32 s11, $0x2;
	_ =	strace $0x80000047;
	[tilespmem:$0x1FFF0] =	vst v6;
	v3 =	vor.u32 $0x30, v0;
	v5 =	vsel vm15, $0x200, v5;
	v6 =	vsel vm15, $0x1200, v4  }
0xd: {  	s3 =	sshll.u32 s1, $0x4;
	[dreg:$0x5] =	wrdreg s7;
	s7 =	sadd.s32 $0xAC00, s2;
	v4 =	vimm.s32 $0x2710;
	v5 =	vsel vm4, $0x280, v5;
	v6 =	vsel vm4, $0x1280, v6  }
0xe: {  	s24 =	ssub.s32 $0x2, s1;
	p1 =	seq.s32 s1, $0x0;
	s3 =	sor.u32 s11, s3;
	vm15 =	vmmov $0xffff;
	v7 =	vsel vm5, $0x300, v5;
	v6 =	vsel vm5, $0x1300, v6  }
0xf: {  	[dreg:$0x6] =	wrdreg s26;
	s26 =	simm.s32 $0xA500;
	s4 =	smul.u32 $0x271, s3;
	v5 =	vand.u32 $0x7, v0;
	v7 =	vsel vm6, $0x380, v7;
	v9 =	vsel vm6, $0x1380, v6  }
0x10: {  	s1 =	simm.s32 $0x0;
	s9 =	sshrl.u32 s24, $0x1;
	s6 =	smul.u32 $0xA00, s3;
	v6 =	vmul.u32 $0x8, v8;
	v7 =	vsel vm7, $0x800, v7;
	v9 =	vsel vm7, $0x1800, v9  }
0x11: {  	p0 =	por !p1, !p0;
	p1 =	por !p1, !p2;
	s3 =	smul.u32 $0xA0, s3;
	v8 =	vsel vm8, $0x880, v7;
	v7 =	vor.u32 $0x8, v0;
	v9 =	vsel vm8, $0x1880, v9  }
.Ltmp0:
0x12: {  	s25 =	ssub.s32 s24, s9;
	p0 =	por !p0, !p0;
	v10 =	vsel vm9, $0x900, v8;
	v8 =	vimm.f32 $0.0e+00;
	v11 =	vsel vm9, $0x1900, v9;
	(pc) =	sbr.rel .LBB2_1-.Ltmp0, $4  }
0x13: {  	p1 =	por !p1, !p1;
	s24 =	simm.s32 $0x4;
	s14 =	smax.u32 s25, $0x1;
	v9 =	vimm.s32 $0x0;
	v10 =	vsel vm10, $0x980, v10;
	v11 =	vsel vm10, $0x1980, v11  }
0x14: {  	s25 =	simm.s32 $0x5;
	s4 =	sadd.s32 s4, s2;
	s6 =	sadd.s32 s6, s2;
	v12 =	vsel vm11, $0xA00, v10;
	v10 =	vadd.s32 $0x13B8, v0;
	v13 =	vsel vm11, $0x1A00, v11  }
0x15: {  	s3 =	sadd.s32 s3, s2;
	s9 =	sadd.s32 $0xC00, s4;
	s10 =	sadd.s32 $0x5C00, s4;
	v11 =	vimm.s32 $0x40;
	v12 =	vsel vm12, $0xA80, v12;
	v14 =	vsel vm12, $0x1A80, v13  }
0x16: {  	s12 =	sadd.s32 $0xBC00, s6;
	s13 =	sadd.s32 $0x1FC00, s3;
	s3 =	simm.s32 $0xED80;
	v13 =	vimm.f32 $1.000000000e+00;
	v12 =	vsel vm13, $0xB00, v12;
	v14 =	vsel vm13, $0x1B00, v14  }
.LBB2_11:
0x17: {  	[hbm4b:s12+s5] =	stream.linear.scatter [tilespmem:s5], [sflag:$0x6], $0x5000, $0x38;
	[tilespmem:$0x10180] =	vst v63  }
0x18: {  	_ =	swait.ge [sflag:s20], $0x5000  }
0x19: {  	[sflag:s20] =	ssyncset.done $0x0  }
0x1a: {  	[sflag:s20] =	ssyncadd.s32 $0xFFFFB000  }
0x1b: {  	[hbm4b:s13+s5] =	stream.linear.scatter [tilespmem:s18], [sflag:$0x6], $0x500, $0x38;
	[tilespmem:$0x10180] =	vst v63  }
0x1c: {  	_ =	swait.ge [sflag:s20], $0x500  }
0x1d: {  	s2 =	simm.s32 @p1 $0x0;
	[sflag:s20] =	ssyncset.done $0x0  }
0x1e: {  	s4 =	simm.s32 @p1 $0x9100;
	s6 =	simm.s32 @p1 $0x6;
	[sflag:s20] =	ssyncadd.s32 $0xFFFFFB00  }
0x1f: {  	[tilespmem:s4], [sflag:$0x6] =	stream.linear.gather @p1 [hbm4b:s7+s2], $0x1400, $0x38;
	[tilespmem:$0x10180] =	vst v63  }
0x20: {  	_ =	swait.ge @p1 [sflag:s6], $0x1400  }
0x21: {  	[sflag:s6] =	ssyncset.done @p1 $0x0  }
0x22: {  	[sflag:s6] =	ssyncadd.s32 @p1 $0xFFFFEC00  }
0x23: {  	v15 =	vld @p1 [tilespmem:$0x6900];
	_ =	sdelay $0x6  }
0x24: {  	s11 =	simm.s32 @p1 $0x6980  }
0x25: {  	v15 =	vld.idx.msk @p1 [tilespmem:v15+s11+$0x0], $0xffff;
	_ =	sdelay $0x1  }
0x26: {  	v16 =	vlaneseq.u32 @p1  }
0x27: {  	v16 =	vmul.u32 @p1 $0x50, v16;
	_ =	sdelay $0x1  }
0x28: {  	v15 =	vadd.s32 @p1 v16, v15;
	_ =	sdelay $0x3  }
0x29: {  	v17 =	vimm.f32 @p1 $1.000000000e+00  }
0x2a: {  	[tilespmem:v15+s4+$0x0] =	vst.idx.msk @p1 $0xffff, v17  }
0x2b: {  	v15 =	vld @p1 [tilespmem:$0x6910];
	_ =	sdelay $0x7  }
0x2c: {  	v15 =	vld.idx.msk @p1 [tilespmem:v15+s11+$0x0], $0xffff;
	_ =	sdelay $0x3  }
0x2d: {  	v18 =	vadd.s32 @p1 $0x500, v16  }
0x2e: {  	v15 =	vadd.s32 @p1 v18, v15;
	_ =	sdelay $0x4  }
0x2f: {  	[tilespmem:v15+s4+$0x0] =	vst.idx.msk @p1 $0xffff, v17  }
0x30: {  	v15 =	vld @p1 [tilespmem:$0x6920];
	_ =	sdelay $0x7  }
0x31: {  	v15 =	vld.idx.msk @p1 [tilespmem:v15+s11+$0x0], $0xffff;
	_ =	sdelay $0x3  }
0x32: {  	v18 =	vadd.s32 @p1 $0xA00, v16  }
0x33: {  	v15 =	vadd.s32 @p1 v18, v15;
	_ =	sdelay $0x4  }
0x34: {  	[tilespmem:v15+s4+$0x0] =	vst.idx.msk @p1 $0xffff, v17  }
0x35: {  	v15 =	vld @p1 [tilespmem:$0x6930];
	_ =	sdelay $0x7  }
0x36: {  	v15 =	vld.idx.msk @p1 [tilespmem:v15+s11+$0x0], $0xffff;
	_ =	sdelay $0x3  }
0x37: {  	v16 =	vadd.s32 @p1 $0xF00, v16  }
0x38: {  	v15 =	vadd.s32 @p1 v16, v15;
	_ =	sdelay $0x2  }
0x39: {  	s1 =	sadd.s32 $0x1, s1  }
0x3a: {  	p2 =	sne.s32 s1, s14  }
.Ltmp1:
0x3b: {  	[tilespmem:v15+s4+$0x0] =	vst.idx.msk @p1 $0xffff, v17;
	(pc) =	sbr.rel @!p2 .LBB2_12-.Ltmp1, $4  }
0x3c: {  	[hbm4b:s8+s2] =	stream.linear.scatter @p1 [tilespmem:s4], [sflag:$0x6], $0x1400, $0x38;
	[tilespmem:$0x10180] =	vst v63  }
0x3d: {  	_ =	swait.ge @p1 [sflag:s6], $0x1400  }
0x3e: {  	[sflag:s6] =	ssyncset.done @p1 $0x0  }
0x3f: {  	[sflag:s6] =	ssyncadd.s32 @p1 $0xFFFFEC00  }
.LBB2_1:
0x40: {  	s2 =	simm.s32 $0x5500  }
0x41: {  	[tilespmem:s2], [sflag:$0x1] =	stream.linear.gather [hbm4b:s9+s5], $0x1388, $0x38;
	[tilespmem:$0x10180] =	vst v63  }
0x42: {  	s15 =	simm.s32 $0xD980  }
0x43: {  	[tilespmem:s15], [sflag:$0x2] =	stream.linear.gather [hbm4b:s10+s5], $0x1388, $0x38;
	[tilespmem:$0x10180] =	vst v63  }
0x44: {  	s16 =	rddreg [dreg:$0x5]  }
0x45: {  	[tilespmem:s17], [sflag:$0x3] =	stream.linear.gather [hbm4b:s16+s5], $0x2780, $0x38;
	[tilespmem:$0x10180] =	vst v63  }
0x46: {  	_ = 	snop  }
0x47: {  	[tilespmem:s5], [sflag:$0x4] =	stream.linear.gather [hbm4b:s7+s5], $0x5000, $0x38;
	[tilespmem:$0x10180] =	vst v63  }
0x48: {  	_ = 	snop  }
0x49: {  	[tilespmem:s18], [sflag:$0x5] =	stream.linear.gather [hbm4b:s7+s5], $0x500, $0x38;
	[tilespmem:$0x10180] =	vst v63  }
0x4a: {  	s19 =	rddreg [dreg:$0x2];
	s4 =	simm.s32 $0x6900  }
0x4b: {  	[tilespmem:s4], [sflag:$0x6] =	stream.linear.gather [hbm4b:s19+s5], $0x80, $0x38;
	[tilespmem:$0x10180] =	vst v63  }
0x4c: {  	_ =	swait.ge [sflag:s20], $0x80  }
0x4d: {  	[sflag:s20] =	ssyncset.done $0x0  }
0x4e: {  	[sflag:s20] =	ssyncadd.s32 $0xFFFFFF80  }
0x4f: {  	_ =	swait.ge [sflag:s21], $0x2780  }
0x50: {  	[sflag:s21] =	ssyncset.done $0x0  }
0x51: {  	[sflag:s21] =	ssyncadd.s32 $0xFFFFD880  }
0x52: {  	v15 =	vld [tilespmem:$0x6900];
	_ =	sdelay $0x2  }
0x53: {  	vm0 =	vcmask $0x704  }
0x54: {  	vm1 =	vcmask $0xB08  }
0x55: {  	vm2 =	vcmask $0xF0C  }
0x56: {  	vm3 =	vcmask $0x1310;
	_ =	sdelay $0x1  }
0x57: {  	[tilespmem:v15+s17+$0x0] =	vst.idx.msk $0x1, v0  }
0x58: {  	[tilespmem:v15+s17+$0x0] =	vst.idx.msk vm0, v0  }
0x59: {  	[tilespmem:v15+s17+$0x0] =	vst.idx.msk vm1, v0  }
0x5a: {  	[tilespmem:v15+s17+$0x0] =	vst.idx.msk vm2, v0  }
0x5b: {  	[tilespmem:v15+s17+$0x0] =	vst.idx.msk vm3, v0  }
0x5c: {  	[tilespmem:v15+s17+$0x0] =	vst.idx.msk vm4, v0  }
0x5d: {  	[tilespmem:v15+s17+$0x0] =	vst.idx.msk vm5, v0  }
0x5e: {  	[tilespmem:v15+s17+$0x0] =	vst.idx.msk vm6, v0  }
0x5f: {  	[tilespmem:v15+s17+$0x0] =	vst.idx.msk vm7, v0  }
0x60: {  	[tilespmem:v15+s17+$0x0] =	vst.idx.msk vm8, v0  }
0x61: {  	[tilespmem:v15+s17+$0x0] =	vst.idx.msk vm9, v0  }
0x62: {  	[tilespmem:v15+s17+$0x0] =	vst.idx.msk vm10, v0  }
0x63: {  	[tilespmem:v15+s17+$0x0] =	vst.idx.msk vm11, v0  }
0x64: {  	[tilespmem:v15+s17+$0x0] =	vst.idx.msk vm12, v0  }
0x65: {  	[tilespmem:v15+s17+$0x0] =	vst.idx.msk vm13, v0  }
0x66: {  	[tilespmem:v15+s17+$0x0] =	vst.idx.msk vm14, v0  }
0x67: {  	v15 =	vld [tilespmem:$0x6910];
	_ =	sdelay $0x7  }
0x68: {  	[tilespmem:v15+s17+$0x0] =	vst.idx.msk $0x1, v1  }
0x69: {  	[tilespmem:v15+s17+$0x0] =	vst.idx.msk vm0, v1  }
0x6a: {  	[tilespmem:v15+s17+$0x0] =	vst.idx.msk vm1, v1  }
0x6b: {  	[tilespmem:v15+s17+$0x0] =	vst.idx.msk vm2, v1  }
0x6c: {  	[tilespmem:v15+s17+$0x0] =	vst.idx.msk vm3, v1  }
0x6d: {  	[tilespmem:v15+s17+$0x0] =	vst.idx.msk vm4, v1  }
0x6e: {  	[tilespmem:v15+s17+$0x0] =	vst.idx.msk vm5, v1  }
0x6f: {  	[tilespmem:v15+s17+$0x0] =	vst.idx.msk vm6, v1  }
0x70: {  	[tilespmem:v15+s17+$0x0] =	vst.idx.msk vm7, v1  }
0x71: {  	[tilespmem:v15+s17+$0x0] =	vst.idx.msk vm8, v1  }
0x72: {  	[tilespmem:v15+s17+$0x0] =	vst.idx.msk vm9, v1  }
0x73: {  	[tilespmem:v15+s17+$0x0] =	vst.idx.msk vm10, v1  }
0x74: {  	[tilespmem:v15+s17+$0x0] =	vst.idx.msk vm11, v1  }
0x75: {  	[tilespmem:v15+s17+$0x0] =	vst.idx.msk vm12, v1  }
0x76: {  	[tilespmem:v15+s17+$0x0] =	vst.idx.msk vm13, v1  }
0x77: {  	[tilespmem:v15+s17+$0x0] =	vst.idx.msk vm14, v1  }
0x78: {  	v15 =	vld [tilespmem:$0x6920];
	_ =	sdelay $0x7  }
0x79: {  	[tilespmem:v15+s17+$0x0] =	vst.idx.msk $0x1, v2  }
0x7a: {  	[tilespmem:v15+s17+$0x0] =	vst.idx.msk vm0, v2  }
0x7b: {  	[tilespmem:v15+s17+$0x0] =	vst.idx.msk vm1, v2  }
0x7c: {  	[tilespmem:v15+s17+$0x0] =	vst.idx.msk vm2, v2  }
0x7d: {  	[tilespmem:v15+s17+$0x0] =	vst.idx.msk vm3, v2  }
0x7e: {  	[tilespmem:v15+s17+$0x0] =	vst.idx.msk vm4, v2  }
0x7f: {  	[tilespmem:v15+s17+$0x0] =	vst.idx.msk vm5, v2  }
0x80: {  	[tilespmem:v15+s17+$0x0] =	vst.idx.msk vm6, v2  }
0x81: {  	[tilespmem:v15+s17+$0x0] =	vst.idx.msk vm7, v2  }
0x82: {  	[tilespmem:v15+s17+$0x0] =	vst.idx.msk vm8, v2  }
0x83: {  	[tilespmem:v15+s17+$0x0] =	vst.idx.msk vm9, v2  }
0x84: {  	[tilespmem:v15+s17+$0x0] =	vst.idx.msk vm10, v2  }
0x85: {  	[tilespmem:v15+s17+$0x0] =	vst.idx.msk vm11, v2  }
0x86: {  	[tilespmem:v15+s17+$0x0] =	vst.idx.msk vm12, v2  }
0x87: {  	[tilespmem:v15+s17+$0x0] =	vst.idx.msk vm13, v2  }
0x88: {  	[tilespmem:v15+s17+$0x0] =	vst.idx.msk vm14, v2  }
0x89: {  	v15 =	vld [tilespmem:$0x6930];
	_ =	sdelay $0x7  }
0x8a: {  	[tilespmem:v15+s17+$0x0] =	vst.idx.msk $0x1, v3  }
0x8b: {  	[tilespmem:v15+s17+$0x0] =	vst.idx.msk vm0, v3  }
0x8c: {  	[tilespmem:v15+s17+$0x0] =	vst.idx.msk vm1, v3  }
0x8d: {  	[tilespmem:v15+s17+$0x0] =	vst.idx.msk vm2, v3  }
0x8e: {  	[tilespmem:v15+s17+$0x0] =	vst.idx.msk vm3, v3  }
0x8f: {  	[tilespmem:v15+s17+$0x0] =	vst.idx.msk vm4, v3  }
0x90: {  	[tilespmem:v15+s17+$0x0] =	vst.idx.msk vm5, v3  }
0x91: {  	[tilespmem:v15+s17+$0x0] =	vst.idx.msk vm6, v3  }
0x92: {  	[tilespmem:v15+s17+$0x0] =	vst.idx.msk vm7, v3  }
0x93: {  	[tilespmem:v15+s17+$0x0] =	vst.idx.msk vm8, v3  }
0x94: {  	[tilespmem:v15+s17+$0x0] =	vst.idx.msk vm9, v3  }
0x95: {  	[tilespmem:v15+s17+$0x0] =	vst.idx.msk vm10, v3  }
0x96: {  	[tilespmem:v15+s17+$0x0] =	vst.idx.msk vm11, v3  }
0x97: {  	[tilespmem:v15+s17+$0x0] =	vst.idx.msk vm12, v3  }
0x98: {  	[tilespmem:v15+s17+$0x0] =	vst.idx.msk vm13, v3  }
0x99: {  	[tilespmem:v15+s17+$0x0] =	vst.idx.msk vm14, v3  }
0x9a: {  	_ =	swait.ge [sflag:s22], $0x1388  }
0x9b: {  	[sflag:s22] =	ssyncset.done $0x0  }
0x9c: {  	[sflag:s22] =	ssyncadd.s32 $0xFFFFEC78  }
0x9d: {  	_ =	swait.ge [sflag:s23], $0x1388  }
0x9e: {  	[sflag:s23] =	ssyncset.done $0x0  }
0x9f: {  	[sflag:s23] =	ssyncadd.s32 $0xFFFFEC78  }
0xa0: {  	_ =	swait.ge [sflag:s24], $0x5000  }
0xa1: {  	[sflag:s24] =	ssyncset.done $0x0  }
0xa2: {  	[sflag:s24] =	ssyncadd.s32 $0xFFFFB000  }
0xa3: {  	_ =	swait.ge [sflag:s25], $0x500  }
0xa4: {  	[sflag:s25] =	ssyncset.done $0x0  }
0xa5: {  	v16 =	vld [tilespmem:$0x1FFF0];
	[sflag:s25] =	ssyncadd.s32 $0xFFFFFB00  }
0xa6: {  	v15 =	vld [tilespmem:$0x6880];
	_ =	sdelay $0x1  }
.Ltmp2:
0xa7: {  	_ = 	snop;
	(pc) =	sbr.rel @!p0 .LBB2_3-.Ltmp2, $4  }
0xa8: {  	[tilespmem:$0x6890] =	vst v4  }
0xa9: {  	[tilespmem:$0x68A0] =	vst v4;
	vm0 =	vnez.u8 v16  }
0xaa: {  	[tilespmem:$0x68B0] =	vst v4;
	v15 =	vnsel vm0, $0x2710, v15  }
0xab: {  	[tilespmem:$0x6880] =	vst v15  }
0xac: {  	v15 =	vld [tilespmem:$0x6900];
	_ =	sdelay $0x4  }
0xad: {  	v16 =	vshll.u32 v15, $0x1  }
0xae: {  	v15 =	vand.u32 $0x7, v15;
	v16 =	vand.u32 $0xFFFFFFF0, v16  }
0xaf: {  	v15 =	vor.u32 v15, v16  }
0xb0: {  	v16 =	vperm.xlane v15, v5;
	_ =	sdelay $0x1  }
0xb1: {  	v15 =	vperm.xlane v15, v7;
	v16 =	vadd.s32 v6, v16;
	_ =	sdelay $0x1  }
0xb2: {  	v15 =	vadd.s32 v6, v15;
	_ =	sdelay $0x2  }
0xb3: {  	[tilespmem:s26], [sflag:$0x1] =	stream.indirect_vreg.gather [hbm4b:s0+s5], $0x80, v16, vm15, $0xb8;
	[tilespmem:$0x10180] =	vst v63  }
0xb4: {  	_ = 	snop  }
0xb5: {  	[tilespmem:s28], [sflag:$0x1] =	stream.indirect_vreg.gather [hbm4b:s0+s5], $0x80, v15, vm15, $0xb8;
	[tilespmem:$0x10180] =	vst v63  }
0xb6: {  	v15 =	vld [tilespmem:$0x6910];
	_ =	sdelay $0x4  }
0xb7: {  	v61 =	vshll.u32 v15, $0x1  }
0xb8: {  	v15 =	vand.u32 $0x7, v15;
	v16 =	vand.u32 $0xFFFFFFF0, v61  }
0xb9: {  	v15 =	vor.u32 v15, v16  }
0xba: {  	v16 =	vperm.xlane v15, v5;
	_ =	sdelay $0x1  }
0xbb: {  	v15 =	vperm.xlane v15, v7;
	v16 =	vadd.s32 v6, v16;
	_ =	sdelay $0x1  }
0xbc: {  	v15 =	vadd.s32 v6, v15;
	_ =	sdelay $0x2  }
0xbd: {  	[tilespmem:s29], [sflag:$0x1] =	stream.indirect_vreg.gather [hbm4b:s0+s5], $0x80, v16, vm15, $0xb8;
	[tilespmem:$0x10180] =	vst v63  }
0xbe: {  	_ = 	snop  }
0xbf: {  	[tilespmem:s30], [sflag:$0x1] =	stream.indirect_vreg.gather [hbm4b:s0+s5], $0x80, v15, vm15, $0xb8;
	[tilespmem:$0x10180] =	vst v63  }
0xc0: {  	_ =	swait.ge [sflag:s22], $0x2000  }
0xc1: {  	[sflag:s22] =	ssyncset.done $0x0  }
0xc2: {  	[sflag:s22] =	ssyncadd.s32 $0xFFFFE000  }
0xc3: {  	s2 =	rddreg [dreg:$0x3]  }
0xc4: {  	[hbm4b:s2+s5] =	stream.linear.scatter [tilespmem:s26], [sflag:$0x6], $0x2000, $0x38;
	[tilespmem:$0x10180] =	vst v63  }
0xc5: {  	_ =	swait.ge [sflag:s20], $0x2000  }
0xc6: {  	[sflag:s20] =	ssyncset.done $0x0  }
0xc7: {  	[sflag:s20] =	ssyncadd.s32 $0xFFFFE000  }
0xc8: {  	v15 =	vld [tilespmem:$0x6920];
	_ =	sdelay $0x4  }
0xc9: {  	v62 =	vshll.u32 v15, $0x1  }
0xca: {  	v15 =	vand.u32 $0x7, v15;
	v16 =	vand.u32 $0xFFFFFFF0, v62  }
0xcb: {  	v15 =	vor.u32 v15, v16  }
0xcc: {  	v16 =	vperm.xlane v15, v5;
	_ =	sdelay $0x1  }
0xcd: {  	v15 =	vperm.xlane v15, v7;
	v16 =	vadd.s32 v6, v16;
	_ =	sdelay $0x1  }
0xce: {  	v15 =	vadd.s32 v6, v15;
	_ =	sdelay $0x2  }
0xcf: {  	[tilespmem:s26], [sflag:$0x1] =	stream.indirect_vreg.gather [hbm4b:s0+s5], $0x80, v16, vm15, $0xb8;
	[tilespmem:$0x10180] =	vst v63  }
0xd0: {  	_ = 	snop  }
0xd1: {  	[tilespmem:s28], [sflag:$0x1] =	stream.indirect_vreg.gather [hbm4b:s0+s5], $0x80, v15, vm15, $0xb8;
	[tilespmem:$0x10180] =	vst v63  }
0xd2: {  	v15 =	vld [tilespmem:$0x6930];
	_ =	sdelay $0x4  }
0xd3: {  	v63 =	vshll.u32 v15, $0x1  }
0xd4: {  	v15 =	vand.u32 $0x7, v15;
	v16 =	vand.u32 $0xFFFFFFF0, v63  }
0xd5: {  	v15 =	vor.u32 v15, v16  }
0xd6: {  	v16 =	vperm.xlane v15, v5;
	_ =	sdelay $0x1  }
0xd7: {  	v15 =	vperm.xlane v15, v7;
	v16 =	vadd.s32 v6, v16;
	_ =	sdelay $0x1  }
0xd8: {  	v15 =	vadd.s32 v6, v15;
	_ =	sdelay $0x2  }
0xd9: {  	[tilespmem:s29], [sflag:$0x1] =	stream.indirect_vreg.gather [hbm4b:s0+s5], $0x80, v16, vm15, $0xb8;
	[tilespmem:$0x10180] =	vst v63  }
0xda: {  	_ = 	snop  }
0xdb: {  	[tilespmem:s30], [sflag:$0x1] =	stream.indirect_vreg.gather [hbm4b:s0+s5], $0x80, v15, vm15, $0xb8;
	[tilespmem:$0x10180] =	vst v63  }
0xdc: {  	_ =	swait.ge [sflag:s22], $0x2000  }
0xdd: {  	[sflag:s22] =	ssyncset.done $0x0  }
0xde: {  	s19 =	rddreg [dreg:$0x6];
	[sflag:s22] =	ssyncadd.s32 $0xFFFFE000  }
0xdf: {  	[hbm4b:s19+s5] =	stream.linear.scatter [tilespmem:s26], [sflag:$0x6], $0x2000, $0x38;
	[tilespmem:$0x10180] =	vst v63  }
0xe0: {  	_ =	swait.ge [sflag:s20], $0x2000  }
0xe1: {  	[sflag:s20] =	ssyncset.done $0x0  }
0xe2: {  	[sflag:s20] =	ssyncadd.s32 $0xFFFFE000  }
.LBB2_3:
0xe3: {  	s2 =	simm.s32 $0x0;
	s15 =	simm.s32 $0x0  }
.LBB2_4:
0xe4: {  	s4 =	sshra.s32 s2, $0x2  }
0xe5: {  	v15 =	vld [tilespmem:s4+$0x5500]  }
0xe6: {  	v16 =	vld [tilespmem:s4+$0x5510]  }
0xe7: {  	v19 =	vld [tilespmem:s4+$0x5520]  }
0xe8: {  	v20 =	vld [tilespmem:s4+$0x5530];
	_ =	sdelay $0x4  }
0xe9: {  	v18 =	vld.idx.msk [tilespmem:v15+s17+$0x0], $0xffff  }
0xea: {  	v17 =	vld.idx.msk [tilespmem:v16+s17+$0x0], $0xffff  }
0xeb: {  	v16 =	vld.idx.msk [tilespmem:v19+s17+$0x0], $0xffff  }
0xec: {  	v15 =	vld.idx.msk [tilespmem:v20+s17+$0x0], $0xffff;
	_ =	sdelay $0x2  }
0xed: {  	v63 =	vand.u32 v18, v17  }
0xee: {  	v19 =	vand.u32 v16, v63  }
0xef: {  	v19 =	vand.u32 v15, v19  }
0xf0: {  	vm0 =	vgt.s32 v19, $0xFFFFFFFF  }
0xf1: {  	v19 =	vsel vm0, $0x3F800000, v8  }
0xf2: {  	(xrf0) =	vmax.scan.msk.f32 $0xffff, v19;
	_ =	sdelay $0x5  }
0xf3: {  	v19, _, _ =	vpop (xrf0)  }
0xf4: {  	(v2sf) =	vpush v19, $0xF;
	_ =	sdelay $0xe  }
0xf5: {  	s6 =	spop (v2sf)  }
0xf6: {  	p2 =	sgt.f32 s6, $0.0e+00;
	_ =	sdelay $0x1  }
0xf7: {  	vm3 =	vgt.s32 @p2 v18, $0xFFFFFFFF  }
0xf8: {  	v19 =	vsel @p2 vm3, $0x1, v9  }
0xf9: {  	(xrf0) =	vadd.scan.msk.s32 @p2 $0xffff, v19;
	_ =	sdelay $0x3  }
0xfa: {  	vm1 =	vgt.s32 @p2 v17, $0xFFFFFFFF  }
0xfb: {  	v19 =	vsel @p2 vm1, $0x1, v9  }
0xfc: {  	v20, _, _ =	vpop @p2 (xrf0);
	(xrf0) =	vadd.scan.msk.s32 @p2 $0xffff, v19  }
0xfd: {  	(v2sf) =	vpush @p2 v20, $0xF;
	_ =	sdelay $0x2  }
0xfe: {  	vm0 =	vgt.s32 @p2 v16, $0xFFFFFFFF  }
0xff: {  	v19 =	vsel @p2 vm0, $0x1, v9  }
0x100: {  	v21, _, _ =	vpop @p2 (xrf0);
	(xrf0) =	vadd.scan.msk.s32 @p2 $0xffff, v19  }
0x101: {  	(v2sf) =	vpush @p2 v21, $0xF;
	_ =	sdelay $0x4  }
0x102: {  	v19 =	vmov @p2 s15;
	v22, _, _ =	vpop @p2 (xrf0)  }
0x103: {  	v19 =	vadd.s32 @p2 $0xFFFFFFFF, v19;
	(v2sf) =	vpush @p2 v22, $0xF  }
0x104: {  	v19 =	vbroadcast @p2 v19, $0x0;
	_ =	sdelay $0x1  }
0x105: {  	vm2 =	vgt.s32 @p2 v15, $0xFFFFFFFF;
	v19 =	vadd.s32 @p2 v20, v19;
	s6 =	spop @p2 (v2sf)  }
0x106: {  	v20 =	vsel @p2 vm2, $0x1, v9;
	v19 =	vsel @p2 vm3, v19, v10;
	s6 =	sadd.s32 @p2 s15, s6  }
0x107: {  	v23 =	vld @p2 [tilespmem:s4+$0xD980];
	(xrf0) =	vadd.scan.msk.s32 @p2 $0xffff, v20;
	v20 =	vmov @p2 s6  }
0x108: {  	v20 =	vadd.s32 @p2 $0xFFFFFFFF, v20  }
0x109: {  	v20 =	vbroadcast @p2 v20, $0x0;
	_ =	sdelay $0x1  }
0x10a: {  	[tilespmem:v19+s31+$0x0] =	vst.idx.msk @p2 vm3, v18;
	v18 =	vadd.s32 @p2 v21, v20;
	s11 =	spop @p2 (v2sf)  }
0x10b: {  	[tilespmem:v19+s3+$0x0] =	vst.idx.msk @p2 vm3, v23;
	v18 =	vsel @p2 vm1, v18, v10;
	s6 =	sadd.s32 @p2 s6, s11  }
0x10c: {  	v19 =	vld @p2 [tilespmem:s4+$0xD990];
	v21, _, _ =	vpop @p2 (xrf0);
	v20 =	vmov @p2 s6  }
0x10d: {  	(v2sf) =	vpush @p2 v21, $0xF;
	v20 =	vadd.s32 @p2 $0xFFFFFFFF, v20  }
0x10e: {  	v20 =	vbroadcast @p2 v20, $0x0;
	_ =	sdelay $0x1  }
0x10f: {  	[tilespmem:v18+s31+$0x0] =	vst.idx.msk @p2 vm1, v17;
	s11 =	spop @p2 (v2sf);
	v17 =	vadd.s32 @p2 v22, v20  }
0x110: {  	[tilespmem:v18+s3+$0x0] =	vst.idx.msk @p2 vm1, v19;
	v17 =	vsel @p2 vm0, v17, v10;
	s6 =	sadd.s32 @p2 s6, s11  }
0x111: {  	v18 =	vld @p2 [tilespmem:s4+$0xD9A0];
	v19 =	vmov @p2 s6  }
0x112: {  	v19 =	vadd.s32 @p2 $0xFFFFFFFF, v19  }
0x113: {  	v19 =	vbroadcast @p2 v19, $0x0;
	_ =	sdelay $0x1  }
0x114: {  	[tilespmem:v17+s31+$0x0] =	vst.idx.msk @p2 vm0, v16;
	v16 =	vadd.s32 @p2 v21, v19  }
0x115: {  	[tilespmem:v17+s3+$0x0] =	vst.idx.msk @p2 vm0, v18;
	v16 =	vsel @p2 vm2, v16, v10  }
0x116: {  	v17 =	vld @p2 [tilespmem:s4+$0xD9B0];
	_ =	sdelay $0x3  }
0x117: {  	s2 =	sadd.s32 $0x100, s2;
	s4 =	spop @p2 (v2sf);
	[tilespmem:v16+s31+$0x0] =	vst.idx.msk @p2 vm2, v15  }
0x118: {  	s15 =	sadd.s32 @p2 s6, s4;
	[tilespmem:v16+s3+$0x0] =	vst.idx.msk @p2 vm2, v17;
	p2 =	sne.s32 s2, $0x4F00  }
.Ltmp3:
0x119: {  	_ = 	snop;
	(pc) =	sbr.rel @p2 .LBB2_4-.Ltmp3, $1  }
0x11a: {  	_ =	sdelay $0x3  }
0x11b: {  	s2 =	sadd.s32 $0x1F, s15  }
0x11c: {  	s4 =	sadd.s32 $0x10, s15;
	s6 =	sand.u32 $0x1F, s2  }
0x11d: {  	s19 =	sshra.s32 s2, $0x1F;
	p2 =	slt.s32 s2, $0x1;
	p3 =	sne.s32 s6, $0x0  }
0x11e: {  	v16 =	vadd.s32 s4, v0;
	s4 =	sshrl.u32 s19, $0x1B;
	p2 =	por !p2, !p3  }
0x11f: {  	v15 =	vadd.s32 s15, v0;
	s2 =	sadd.s32 s4, s2;
	s4 =	simm.s32 $0x1;
	p2 =	por !p2, !p2  }
0x120: {  	s2 =	sshra.s32 s2, $0x5;
	s4 =	simm.s32 @!p2 $0x0  }
0x121: {  	s4 =	ssub.s32 s2, s4  }
0x122: {  	p2 =	slt.s32 s4, $0x1  }
.Ltmp4:
0x123: {  	_ = 	snop;
	(pc) =	sbr.rel @p2 .LBB2_11-.Ltmp4, $4  }
0x124: {  	[tilespmem:v15+s31+$0x0] =	vst.idx.msk $0xffff, v11  }
0x125: {  	[tilespmem:v15+s3+$0x0] =	vst.idx.msk $0xffff, v9  }
0x126: {  	[tilespmem:v16+s31+$0x0] =	vst.idx.msk $0xffff, v11  }
0x127: {  	s15 =	simm.s32 $0x0;
	s2 =	simm.s32 $0x0;
	[tilespmem:v16+s3+$0x0] =	vst.idx.msk $0xffff, v9  }
.LBB2_6:
0x128: {  	s6 =	sshll.u32 s15, $0x5  }
0x129: {  	v15 =	vld [tilespmem:s6+$0xED80];
	_ =	sdelay $0x4  }
0x12a: {  	v16 =	vshll.u32 v15, $0x1  }
0x12b: {  	v17 =	vand.u32 $0x7, v15;
	v16 =	vand.u32 $0xFFFFFFF0, v16  }
0x12c: {  	v16 =	vor.u32 v17, v16  }
0x12d: {  	[tilespmem:$0xD900] =	vst v15;
	v15 =	vperm.xlane v16, v5  }
0x12e: {  	v17 =	vld [tilespmem:s6+$0xED90]  }
0x12f: {  	v16 =	vperm.xlane v16, v7;
	v15 =	vadd.s32 v6, v15;
	_ =	sdelay $0x1  }
0x130: {  	v16 =	vadd.s32 v6, v16;
	_ =	sdelay $0x1  }
0x131: {  	[tilespmem:$0xD910] =	vst v17  }
0x132: {  	[tilespmem:s26], [sflag:$0x1] =	stream.indirect_vreg.gather [hbm4b:s0+s2], $0x80, v15, vm15, $0xb8;
	[tilespmem:$0x10180] =	vst v63  }
0x133: {  	_ = 	snop  }
0x134: {  	[tilespmem:s28], [sflag:$0x1] =	stream.indirect_vreg.gather [hbm4b:s0+s2], $0x80, v16, vm15, $0xb8;
	[tilespmem:$0x10180] =	vst v63  }
0x135: {  	v15 =	vld [tilespmem:$0xD910];
	_ =	sdelay $0x4  }
0x136: {  	v16 =	vshll.u32 v15, $0x1  }
0x137: {  	v15 =	vand.u32 $0x7, v15;
	v16 =	vand.u32 $0xFFFFFFF0, v16  }
0x138: {  	v15 =	vor.u32 v15, v16  }
0x139: {  	v16 =	vperm.xlane v15, v5;
	_ =	sdelay $0x1  }
0x13a: {  	v15 =	vperm.xlane v15, v7;
	v16 =	vadd.s32 v6, v16;
	_ =	sdelay $0x1  }
0x13b: {  	v15 =	vadd.s32 v6, v15;
	_ =	sdelay $0x2  }
0x13c: {  	[tilespmem:s29], [sflag:$0x1] =	stream.indirect_vreg.gather [hbm4b:s0+s2], $0x80, v16, vm15, $0xb8;
	[tilespmem:$0x10180] =	vst v63  }
0x13d: {  	_ = 	snop  }
0x13e: {  	[tilespmem:s30], [sflag:$0x1] =	stream.indirect_vreg.gather [hbm4b:s0+s2], $0x80, v15, vm15, $0xb8;
	[tilespmem:$0x10180] =	vst v63  }
0x13f: {  	v15 =	vmov s2;
	_ =	swait.ge [sflag:s22], $0x2000  }
0x140: {  	v16 =	vshll.u32 v15, $0x3;
	[sflag:s22] =	ssyncset.done $0x0  }
0x141: {  	v17 =	vand.u32 $0x7F, v15;
	v16 =	vand.u32 $0x400, v16;
	[sflag:s22] =	ssyncadd.s32 $0xFFFFE000  }
0x142: {  	v16 =	vor.u32 v16, v17;
	v15 =	vld [tilespmem:s6+$0xC500]  }
0x143: {  	v17 =	vor.u32 v12, v16  }
0x144: {  	s11 =	simm.s32 $0x1  }
0x145: {  	v16 =	vmov s11  }
0x146: {  	v18 =	vshll.u32 v16, $0x3  }
0x147: {  	v19 =	vand.u32 $0x7F, v16;
	v18 =	vand.u32 $0x400, v18;
	v16 =	vshll.u32 v15, $0x8  }
0x148: {  	v18 =	vor.u32 v18, v19;
	v17 =	vld.idx.msk [tilespmem:v17+s26+$0x0], $0xffff;
	v19 =	vadd.s32 s2, v16  }
0x149: {  	v18 =	vor.u32 v12, v18;
	_ =	sdelay $0x1  }
0x14a: {  	s19 =	simm.s32 $0x2  }
0x14b: {  	s16 =	sor.u32 $0x10, s6;
	v20 =	vmov s19;
	s6 =	simm.s32 $0x3  }
.LBB2_7:
0x14c: {  	p2 =	sne.s32 s6, $0xFF;
	v21 =	vshll.u32 v20, $0x3;
	[tilespmem:v19+s5+$0x0] =	vst.idx.add.f32.msk $0xffff, v17  }
0x14d: {  	v19 =	vand.u32 $0x7F, v20;
	v20 =	vand.u32 $0x400, v21;
	v17 =	vld.idx.msk [tilespmem:v18+s26+$0x0], $0xffff  }
.Ltmp5:
0x14e: {  	v18 =	vor.u32 v20, v19;
	v19 =	vadd.s32 s11, v16;
	s11 =	smov.u32 s19;
	s19 =	smov.u32 s6;
	(pc) =	sbr.rel @p2 .LBB2_7-.Ltmp5, $2  }
0x14f: {  	v18 =	vor.u32 v12, v18;
	_ =	sdelay $0x2  }
0x150: {  	s6 =	sadd.s32 $0x1, s6;
	v20 =	vmov s19  }
0x151: {  	_ =	sdelay $0x2  }
0x152: {  	v21 =	vshll.u32 v20, $0x3  }
0x153: {  	[tilespmem:v19+s5+$0x0] =	vst.idx.add.f32.msk $0xffff, v17;
	v17 =	vand.u32 $0x7F, v20;
	v19 =	vand.u32 $0x400, v21  }
0x154: {  	v18 =	vld.idx.msk [tilespmem:v18+s26+$0x0], $0xffff;
	v17 =	vor.u32 v19, v17;
	v19 =	vadd.s32 s11, v16  }
0x155: {  	v17 =	vor.u32 v12, v17;
	_ =	sdelay $0x3  }
0x156: {  	[tilespmem:v19+s5+$0x0] =	vst.idx.add.f32.msk $0xffff, v18  }
0x157: {  	v16 =	vadd.s32 s19, v16;
	v17 =	vld.idx.msk [tilespmem:v17+s26+$0x0], $0xffff  }
0x158: {  	v15 =	vshll.u32 v15, $0x4;
	_ =	sdelay $0x1  }
0x159: {  	s6 =	simm.s32 $0x0  }
0x15a: {  	v18 =	vmov s6  }
0x15b: {  	[tilespmem:v16+s5+$0x0] =	vst.idx.add.f32.msk $0xffff, v17;
	v16 =	vshll.u32 v18, $0x3  }
0x15c: {  	v17 =	vand.u32 $0x7F, v18;
	[tilespmem:v15+s18+$0x0] =	vst.idx.add.f32.msk $0xffff, v13;
	v16 =	vand.u32 $0x400, v16  }
0x15d: {  	v15 =	vld [tilespmem:s16+$0xC500];
	v16 =	vor.u32 v16, v17  }
0x15e: {  	v17 =	vor.u32 v14, v16  }
0x15f: {  	s11 =	simm.s32 $0x1  }
0x160: {  	v16 =	vmov s11  }
0x161: {  	v18 =	vshll.u32 v16, $0x3  }
0x162: {  	v19 =	vand.u32 $0x7F, v16;
	v18 =	vand.u32 $0x400, v18;
	v16 =	vshll.u32 v15, $0x8  }
0x163: {  	v18 =	vor.u32 v18, v19;
	v17 =	vld.idx.msk [tilespmem:v17+s26+$0x0], $0xffff;
	v19 =	vadd.s32 s6, v16  }
0x164: {  	v18 =	vor.u32 v14, v18;
	_ =	sdelay $0x1  }
0x165: {  	s16 =	simm.s32 $0x2  }
0x166: {  	v20 =	vmov s16;
	s6 =	simm.s32 $0x3  }
.LBB2_9:
0x167: {  	p2 =	sne.s32 s6, $0xFF;
	v21 =	vshll.u32 v20, $0x3;
	[tilespmem:v19+s5+$0x0] =	vst.idx.add.f32.msk $0xffff, v17  }
0x168: {  	v19 =	vand.u32 $0x7F, v20;
	v20 =	vand.u32 $0x400, v21;
	v17 =	vld.idx.msk [tilespmem:v18+s26+$0x0], $0xffff  }
.Ltmp6:
0x169: {  	v18 =	vor.u32 v20, v19;
	v19 =	vadd.s32 s11, v16;
	s11 =	smov.u32 s16;
	s16 =	smov.u32 s6;
	(pc) =	sbr.rel @p2 .LBB2_9-.Ltmp6, $2  }
0x16a: {  	v18 =	vor.u32 v14, v18;
	_ =	sdelay $0x2  }
0x16b: {  	s6 =	sadd.s32 $0x1, s6;
	v20 =	vmov s16  }
0x16c: {  	_ =	sdelay $0x2  }
0x16d: {  	v21 =	vshll.u32 v20, $0x3  }
0x16e: {  	[tilespmem:v19+s5+$0x0] =	vst.idx.add.f32.msk $0xffff, v17;
	v60 =	vand.u32 $0x7F, v20;
	v61 =	vand.u32 $0x400, v21  }
0x16f: {  	v62 =	vadd.s32 s11, v16;
	v18 =	vld.idx.msk [tilespmem:v18+s26+$0x0], $0xffff;
	v17 =	vor.u32 v61, v60  }
0x170: {  	v17 =	vor.u32 v14, v17;
	_ =	sdelay $0x3  }
0x171: {  	[tilespmem:v62+s5+$0x0] =	vst.idx.add.f32.msk $0xffff, v18  }
0x172: {  	v63 =	vadd.s32 s16, v16;
	s15 =	sadd.s32 $0x1, s15;
	v17 =	vld.idx.msk [tilespmem:v17+s26+$0x0], $0xffff  }
0x173: {  	v15 =	vshll.u32 v15, $0x4;
	p2 =	sne.s32 s15, s4  }
.Ltmp7:
0x174: {  	_ = 	snop;
	(pc) =	sbr.rel @p2 .LBB2_6-.Ltmp7, $4  }
.Ltmp8:
0x175: {  	_ = 	snop;
	(pc) =	sbr.rel @!p2 .LBB2_11-.Ltmp8, $4  }
0x176: {  	_ = 	snop  }
0x177: {  	[tilespmem:v63+s5+$0x0] =	vst.idx.add.f32.msk $0xffff, v17  }
0x178: {  	[tilespmem:v15+s18+$0x0] =	vst.idx.add.f32.msk $0xffff, v13  }
0x179: {  	_ = 	snop  }
.LBB2_12:
0x17a: {  	_ =	sfence.sel $0x180000  }
0x17b: {  	[bflag:$0x0] =	sbarrier.arrive $0xFFFF  }
0x17c: {  	_ =	strace $0x90000047  }
0x17d: {  	s0 =	stileid.u32;
	[bflag:$0x2] =	sbarrier.arrive $0xFFFF  }
0x17e: {  	p0 =	sne.s32 s0, $0x0;
	s0 =	rddreg [dreg:$0x4]  }
0x17f: {  	s0 =	sadd.s32 @!p0 $0x100000, s0  }
0x180: {  	[sflag:s0] =	ssyncadd.tile.s32 @!p0 $0x1;
	_ =	shalt  }
.Lfunc_end2:
_tile_overlayer_lowered:
.L_overlay_start_2:
0x181: {  	(tag) =	ssettag $0x2  }
0x182: {  	s0 =	rddreg [dreg:$0x0];
	s2 =	stileid.u32  }
0x183: {  	s1 =	rddreg [dreg:$0x1];
	p0 =	sne.s32 s2, $0x0  }
0x184: {  	s3 =	rddreg [dreg:$0x2];
	[bflag:$0x3] =	sbarrier.arrive $0xFFFF;
	s2 =	simm.s32 @!p0 $0x1C06  }
0x185: {  	[timem:s3], [sflag:s2] =	dma.local @!p0 [hbm:s0], s1  }
0x186: {  	s0 =	simm.s32 @!p0 $0x6  }
0x187: {  	_ =	swait.ge @!p0 [sflag:s0], s1  }
0x188: {  	s1 =	ssub.s32 @!p0 $0x0, s1;
	[sflag:s0] =	ssyncset.done @!p0 $0x0  }
0x189: {  	[sflag:s0] =	ssyncadd.s32 @!p0 s1  }
0x18a: {  	[bflag:$0x3] =	sbarrier.arrive $0xFFFF  }
0x18b: {  	_ =	shalt  }

</sc_bundles>
